<compile_context>
chip_gen: v7x
topology: tpu7x:2x2x1
jax: 0.10.2.dev20260603
libtpu: 0.0.44.dev20260713+nightly
codegen_flags: <defaults>
</compile_context>

<pallas_src>
import functools

import jax
import jax.numpy as jnp
from jax import lax
from jax.experimental import pallas as pl
from jax.experimental.pallas import tpu as pltpu
from jax.experimental.pallas import tpu_sc as plsc

N_ATOMS = 320000
D = 128
NSEG = 10000
NC = 2
NS = 16
NW = NC * NS
ATOMS_PER_TILE = N_ATOMS // NW
BATCH = 80
NBATCH = ATOMS_PER_TILE // BATCH
NCHUNK = NSEG // BATCH


def _sc_body(atoms_hbm, mem_hbm, out_hbm, abuf, ibuf, acc, sem0, sem1):
    c = lax.axis_index("c")
    s = lax.axis_index("s")
    w = c * NS + s

    zvec = jnp.zeros((16,), jnp.float32)

    @pl.loop(0, BATCH)
    def _zero_rows(i):
        for j in range(D // 16):
            abuf[0, i, pl.ds(j * 16, 16)] = zvec

    for k in range((NCHUNK + NS - 1) // NS):
        ch = s + k * NS

        @pl.when(ch < NCHUNK)
        def _():
            pltpu.sync_copy(abuf.at[0], acc.at[pl.ds(ch * BATCH, BATCH)])

    plsc.subcore_barrier()

    pltpu.sync_copy(mem_hbm.at[w], ibuf)

    atom_base = w * ATOMS_PER_TILE
    sems = (sem0, sem1)

    for b in range(2):
        pltpu.async_copy(
            atoms_hbm.at[pl.ds(atom_base + b * BATCH, BATCH)], abuf.at[b], sems[b]
        )

    @pl.loop(0, NBATCH - 3, step=2)
    def _main(j):
        for b in range(2):
            jj = j + b
            pltpu.make_async_copy(
                atoms_hbm.at[pl.ds(atom_base + jj * BATCH, BATCH)], abuf.at[b], sems[b]
            ).wait()
            pltpu.sync_copy(abuf.at[b], acc.at[ibuf.at[jj]], add=True)
            pltpu.async_copy(
                atoms_hbm.at[pl.ds(atom_base + (jj + 2) * BATCH, BATCH)],
                abuf.at[b],
                sems[b],
            )

    t0 = NBATCH - 3
    pltpu.make_async_copy(
        atoms_hbm.at[pl.ds(atom_base + t0 * BATCH, BATCH)], abuf.at[0], sems[0]
    ).wait()
    pltpu.sync_copy(abuf.at[0], acc.at[ibuf.at[t0]], add=True)
    pltpu.async_copy(
        atoms_hbm.at[pl.ds(atom_base + (t0 + 2) * BATCH, BATCH)], abuf.at[0], sems[0]
    )
    pltpu.make_async_copy(
        atoms_hbm.at[pl.ds(atom_base + (t0 + 1) * BATCH, BATCH)], abuf.at[1], sems[1]
    ).wait()
    pltpu.sync_copy(abuf.at[1], acc.at[ibuf.at[t0 + 1]], add=True)
    pltpu.make_async_copy(
        atoms_hbm.at[pl.ds(atom_base + (t0 + 2) * BATCH, BATCH)], abuf.at[0], sems[0]
    ).wait()
    pltpu.sync_copy(abuf.at[0], acc.at[ibuf.at[t0 + 2]], add=True)

    plsc.subcore_barrier()

    for k in range((NCHUNK + NS - 1) // NS):
        ch = s + k * NS

        @pl.when(ch < NCHUNK)
        def _():
            pltpu.sync_copy(
                acc.at[pl.ds(ch * BATCH, BATCH)],
                out_hbm.at[c, pl.ds(ch * BATCH, BATCH)],
            )


_sc_segsum = functools.partial(
    pl.kernel,
    out_type=jax.ShapeDtypeStruct((NC, NSEG, D), jnp.float32),
    mesh=plsc.VectorSubcoreMesh(
        core_axis_name="c", subcore_axis_name="s", num_cores=NC, num_subcores=NS
    ),
    scratch_types=[
        pltpu.VMEM((2, BATCH, D), jnp.float32),
        pltpu.VMEM((NBATCH, BATCH), jnp.int32),
        pltpu.VMEM_SHARED((NSEG, D), jnp.float32),
        pltpu.SemaphoreType.DMA,
        pltpu.SemaphoreType.DMA,
    ],
)(_sc_body)


def _mlp_body(p_ref, w1_ref, b1_ref, w2_ref, b2_ref, o_ref):
    g = p_ref[0] + p_ref[1]
    h = jnp.dot(g, w1_ref[...], preferred_element_type=jnp.float32) + b1_ref[...]
    h = jnp.maximum(h, 0.0)
    o = jnp.dot(h, w2_ref[...], preferred_element_type=jnp.float32) + b2_ref[...]
    o_ref[...] = jnp.maximum(o, 0.0)


def _tc_mlp(partials, W1, b1, W2, b2):
    return pl.pallas_call(
        _mlp_body,
        out_shape=jax.ShapeDtypeStruct((NSEG, D), jnp.float32),
    )(partials, W1, b1.reshape(1, -1), W2, b2.reshape(1, -1))


@jax.jit
def kernel(atom_features, membership, W1, b1, W2, b2):
    mem3d = membership.astype(jnp.int32).reshape(NW, NBATCH, BATCH)
    partials = _sc_segsum(atom_features, mem3d)
    return _tc_mlp(partials, W1, b1, W2, b2)

# --- scband reference (transcript-rebuilt; emitter-appended) ---
"""Pipeline reference for scband-daggather-37280316129535 (READ-ONLY COPY).

The authoritative reference and input builder live on the scoring server;
editing this copy changes nothing except your own understanding.
"""

import jax, jax.numpy as jnp
import numpy as np

N_ATOMS = 320000
D_FEAT = 128
N_SEGMENTS = 10000
HIDDEN = 100
N_OUT = 128

def _glorot(key, shape):
    fan_in, fan_out = shape[0], shape[1]
    limit = np.sqrt(6.0 / (fan_in + fan_out))
    return jax.random.uniform(key, shape, minval=-limit, maxval=limit, dtype=jnp.float32)

def setup_inputs(seed: int = 0) -> dict:
    key = jax.random.key(seed)
    k1, k2, k3, k4 = jax.random.split(key, 4)
    atom_features = jax.random.normal(k1, (N_ATOMS, D_FEAT), dtype=jnp.float32)
    membership = jnp.sort(jax.random.randint(k2, (N_ATOMS,), 0, N_SEGMENTS)).astype(jnp.int64)
    W1 = _glorot(k3, (D_FEAT, HIDDEN))
    b1 = jnp.zeros((HIDDEN,), dtype=jnp.float32)
    W2 = _glorot(k4, (HIDDEN, N_OUT))
    b2 = jnp.zeros((N_OUT,), dtype=jnp.float32)
    return {"atom_features": atom_features, "membership": membership, "W1": W1, "b1": b1, "W2": W2, "b2": b2}

def reference(atom_features, membership, W1, b1, W2, b2):
    # tf.segment_sum(atom_features, membership)
    graph_features = jax.ops.segment_sum(atom_features, membership, num_segments=N_SEGMENTS)
    # _DAGgraph_step: xw_plus_b -> activation (-> dropout skipped since dropout is None)
    h = jnp.dot(graph_features, W1) + b1
    h = jax.nn.relu(h)
    out = jnp.dot(h, W2) + b2
    out = jax.nn.relu(out)
    return out

if __name__ == "__main__":
    import jax
    _d = setup_inputs()
    print(jax.jit(kernel)(*tuple(_d.values())))

</pallas_src>

<mosaic_0001>
#map = affine_map<(d0, d1) -> (0, 0)>
#map1 = affine_map<(d0, d1) -> (0, 0, 0)>
module attributes {stable_mosaic.version = 14 : i64} {
  func.func @_sc_body(%arg0: i32, %arg1: i32, %arg2: memref<320000x128xf32, #tpu.memory_space<hbm>>, %arg3: memref<32x125x80xi32, #tpu.memory_space<hbm>>, %arg4: memref<2x10000x128xf32, #tpu.memory_space<hbm>>, %arg5: memref<2x80x128xf32, #tpu.memory_space<vmem>>, %arg6: memref<125x80xi32, #tpu.memory_space<vmem>>, %arg7: memref<10000x128xf32, #tpu.memory_space<vmem_shared>>, %arg8: memref<!tpu.dma_semaphore, #tpu.memory_space<semaphore_mem>>, %arg9: memref<!tpu.dma_semaphore, #tpu.memory_space<semaphore_mem>>) attributes {dimension_semantics = [#tpu.dimension_semantics<core_parallel>, #tpu.dimension_semantics<subcore_parallel>], iteration_bounds = array<i64: 2, 16>, scalar_prefetch = 0 : i64, scratch_operands = 5 : i64, tpu.core_type = #tpu.core_type<sc_vector_subcore>, window_params = [{transform_indices = #map}, {transform_indices = #map1}, {transform_indices = #map1}]} {
    %mul3A = arith.constant 16 : i32
    %mul3A_0 = arith.muli %arg0, %mul3A : i32
    %add3A = arith.addi %mul3A_0, %arg1 : i32
    %broadcast_in_dim3A = arith.constant 0.000000e+00 : f32
    %broadcast_in_dim3A_1 = vector.broadcast %broadcast_in_dim3A : f32 to vector<16xf32>
    %scan3A = arith.constant 0 : i32
    %scan3A_2 = arith.constant 80 : i32
    %scan3A_3 = arith.addi %scan3A, %scan3A_2 : i32
    %scan3A_4 = arith.constant 1 : i32
    scf.for %scan3A_216 = %scan3A to %scan3A_3 step %scan3A_4  : i32 {
      %mul3A_217 = arith.constant 1 : i32
      %mul3A_218 = arith.muli %scan3A_216, %mul3A_217 : i32
      %add3A_219 = arith.constant 0 : i32
      %add3A_220 = arith.addi %add3A_219, %mul3A_218 : i32
      %swap3A = arith.constant 0 : i32
      %swap3A_221 = arith.index_cast %swap3A : i32 to index
      %swap3A_222 = arith.index_cast %add3A_220 : i32 to index
      %swap3A_223 = arith.constant 0 : index
      %swap3A_224 = tpu.vector_load %arg5[%swap3A_221, %swap3A_222, %swap3A_223] {strides = array<i32>} : memref<2x80x128xf32, #tpu.memory_space<vmem>>, vector<1x1x16xf32>,
      %swap3A_225 = vector.shape_cast %swap3A_224 : vector<1x1x16xf32> to vector<16xf32>
      %swap3A_226 = vector.shape_cast %broadcast_in_dim3A_1 : vector<16xf32> to vector<1x1x16xf32>
      tpu.vector_store %arg5[%swap3A_221, %swap3A_222, %swap3A_223], %swap3A_226 {strides = array<i32>} : memref<2x80x128xf32, #tpu.memory_space<vmem>>, vector<1x1x16xf32>,
      %swap3A_227 = arith.constant 0 : i32
      %swap3A_228 = arith.index_cast %swap3A_227 : i32 to index
      %swap3A_229 = arith.index_cast %add3A_220 : i32 to index
      %swap3A_230 = arith.constant 16 : index
      %swap3A_231 = tpu.vector_load %arg5[%swap3A_228, %swap3A_229, %swap3A_230] {strides = array<i32>} : memref<2x80x128xf32, #tpu.memory_space<vmem>>, vector<1x1x16xf32>,
      %swap3A_232 = vector.shape_cast %swap3A_231 : vector<1x1x16xf32> to vector<16xf32>
      %swap3A_233 = vector.shape_cast %broadcast_in_dim3A_1 : vector<16xf32> to vector<1x1x16xf32>
      tpu.vector_store %arg5[%swap3A_228, %swap3A_229, %swap3A_230], %swap3A_233 {strides = array<i32>} : memref<2x80x128xf32, #tpu.memory_space<vmem>>, vector<1x1x16xf32>,
      %swap3A_234 = arith.constant 0 : i32
      %swap3A_235 = arith.index_cast %swap3A_234 : i32 to index
      %swap3A_236 = arith.index_cast %add3A_220 : i32 to index
      %swap3A_237 = arith.constant 32 : index
      %swap3A_238 = tpu.vector_load %arg5[%swap3A_235, %swap3A_236, %swap3A_237] {strides = array<i32>} : memref<2x80x128xf32, #tpu.memory_space<vmem>>, vector<1x1x16xf32>,
      %swap3A_239 = vector.shape_cast %swap3A_238 : vector<1x1x16xf32> to vector<16xf32>
      %swap3A_240 = vector.shape_cast %broadcast_in_dim3A_1 : vector<16xf32> to vector<1x1x16xf32>
      tpu.vector_store %arg5[%swap3A_235, %swap3A_236, %swap3A_237], %swap3A_240 {strides = array<i32>} : memref<2x80x128xf32, #tpu.memory_space<vmem>>, vector<1x1x16xf32>,
      %swap3A_241 = arith.constant 0 : i32
      %swap3A_242 = arith.index_cast %swap3A_241 : i32 to index
      %swap3A_243 = arith.index_cast %add3A_220 : i32 to index
      %swap3A_244 = arith.constant 48 : index
      %swap3A_245 = tpu.vector_load %arg5[%swap3A_242, %swap3A_243, %swap3A_244] {strides = array<i32>} : memref<2x80x128xf32, #tpu.memory_space<vmem>>, vector<1x1x16xf32>,
      %swap3A_246 = vector.shape_cast %swap3A_245 : vector<1x1x16xf32> to vector<16xf32>
      %swap3A_247 = vector.shape_cast %broadcast_in_dim3A_1 : vector<16xf32> to vector<1x1x16xf32>
      tpu.vector_store %arg5[%swap3A_242, %swap3A_243, %swap3A_244], %swap3A_247 {strides = array<i32>} : memref<2x80x128xf32, #tpu.memory_space<vmem>>, vector<1x1x16xf32>,
      %swap3A_248 = arith.constant 0 : i32
      %swap3A_249 = arith.index_cast %swap3A_248 : i32 to index
      %swap3A_250 = arith.index_cast %add3A_220 : i32 to index
      %swap3A_251 = arith.constant 64 : index
      %swap3A_252 = tpu.vector_load %arg5[%swap3A_249, %swap3A_250, %swap3A_251] {strides = array<i32>} : memref<2x80x128xf32, #tpu.memory_space<vmem>>, vector<1x1x16xf32>,
      %swap3A_253 = vector.shape_cast %swap3A_252 : vector<1x1x16xf32> to vector<16xf32>
      %swap3A_254 = vector.shape_cast %broadcast_in_dim3A_1 : vector<16xf32> to vector<1x1x16xf32>
      tpu.vector_store %arg5[%swap3A_249, %swap3A_250, %swap3A_251], %swap3A_254 {strides = array<i32>} : memref<2x80x128xf32, #tpu.memory_space<vmem>>, vector<1x1x16xf32>,
      %swap3A_255 = arith.constant 0 : i32
      %swap3A_256 = arith.index_cast %swap3A_255 : i32 to index
      %swap3A_257 = arith.index_cast %add3A_220 : i32 to index
      %swap3A_258 = arith.constant 80 : index
      %swap3A_259 = tpu.vector_load %arg5[%swap3A_256, %swap3A_257, %swap3A_258] {strides = array<i32>} : memref<2x80x128xf32, #tpu.memory_space<vmem>>, vector<1x1x16xf32>,
      %swap3A_260 = vector.shape_cast %swap3A_259 : vector<1x1x16xf32> to vector<16xf32>
      %swap3A_261 = vector.shape_cast %broadcast_in_dim3A_1 : vector<16xf32> to vector<1x1x16xf32>
      tpu.vector_store %arg5[%swap3A_256, %swap3A_257, %swap3A_258], %swap3A_261 {strides = array<i32>} : memref<2x80x128xf32, #tpu.memory_space<vmem>>, vector<1x1x16xf32>,
      %swap3A_262 = arith.constant 0 : i32
      %swap3A_263 = arith.index_cast %swap3A_262 : i32 to index
      %swap3A_264 = arith.index_cast %add3A_220 : i32 to index
      %swap3A_265 = arith.constant 96 : index
      %swap3A_266 = tpu.vector_load %arg5[%swap3A_263, %swap3A_264, %swap3A_265] {strides = array<i32>} : memref<2x80x128xf32, #tpu.memory_space<vmem>>, vector<1x1x16xf32>,
      %swap3A_267 = vector.shape_cast %swap3A_266 : vector<1x1x16xf32> to vector<16xf32>
      %swap3A_268 = vector.shape_cast %broadcast_in_dim3A_1 : vector<16xf32> to vector<1x1x16xf32>
      tpu.vector_store %arg5[%swap3A_263, %swap3A_264, %swap3A_265], %swap3A_268 {strides = array<i32>} : memref<2x80x128xf32, #tpu.memory_space<vmem>>, vector<1x1x16xf32>,
      %swap3A_269 = arith.constant 0 : i32
      %swap3A_270 = arith.index_cast %swap3A_269 : i32 to index
      %swap3A_271 = arith.index_cast %add3A_220 : i32 to index
      %swap3A_272 = arith.constant 112 : index
      %swap3A_273 = tpu.vector_load %arg5[%swap3A_270, %swap3A_271, %swap3A_272] {strides = array<i32>} : memref<2x80x128xf32, #tpu.memory_space<vmem>>, vector<1x1x16xf32>,
      %swap3A_274 = vector.shape_cast %swap3A_273 : vector<1x1x16xf32> to vector<16xf32>
      %swap3A_275 = vector.shape_cast %broadcast_in_dim3A_1 : vector<16xf32> to vector<1x1x16xf32>
      tpu.vector_store %arg5[%swap3A_270, %swap3A_271, %swap3A_272], %swap3A_275 {strides = array<i32>} : memref<2x80x128xf32, #tpu.memory_space<vmem>>, vector<1x1x16xf32>,
    }
    %scan3A_5 = arith.constant 80 : i32
    %add3A_6 = arith.constant 0 : i32
    %add3A_7 = arith.addi %arg1, %add3A_6 : i32
    %lt3A = arith.constant 125 : i32
    %lt3A_8 = arith.cmpi slt, %add3A_7, %lt3A : i32
    %convert_element_type3A = arith.extui %lt3A_8 : i1 to i32
    %cond3A = arith.constant 0 : i32
    %cond3A_9 = arith.cmpi ne, %convert_element_type3A, %cond3A : i32
    scf.if %cond3A_9 {
      %mul3A_216 = arith.constant 80 : i32
      %mul3A_217 = arith.muli %add3A_7, %mul3A_216 : i32
      %run_scoped3A_218 = arith.constant 0 : i32
      "tpu.region"() ({
        %run_scoped3A_219 = tpu.sem_alloc : memref<!tpu.dma_semaphore, #tpu.memory_space<semaphore_mem>>
        %dma_start3A_220 = arith.constant 0 : i32
        %dma_start3A_221 = arith.constant 0 : i32
        %dma_start3A_222 = tpu.memref_slice %arg5[%run_scoped3A_218, %dma_start3A_220, %dma_start3A_221] : memref<2x80x128xf32, #tpu.memory_space<vmem>> -> memref<1x80x128xf32, #tpu.memory_space<vmem>>
        %dma_start3A_223 = tpu.memref_squeeze %dma_start3A_222 : memref<1x80x128xf32, #tpu.memory_space<vmem>> -> memref<80x128xf32, #tpu.memory_space<vmem>>
        %dma_start3A_224 = arith.constant 0 : i32
        %dma_start3A_225 = tpu.memref_slice %arg7[%mul3A_217, %dma_start3A_224] : memref<10000x128xf32, #tpu.memory_space<vmem_shared>> -> memref<80x128xf32, #tpu.memory_space<vmem_shared>>
        %dma_start3A_226 = arith.constant 0 : i32
        %dma_start3A_227 = tpu.memref_slice %arg7[%mul3A_217, %dma_start3A_226] : memref<10000x128xf32, #tpu.memory_space<vmem_shared>> -> memref<80x128xf32, #tpu.memory_space<vmem_shared>>
        %dma_start3A_228 = arith.constant 0 : i32
        %dma_start3A_229 = arith.constant 0 : i32
        %dma_start3A_230 = tpu.memref_slice %arg5[%run_scoped3A_218, %dma_start3A_228, %dma_start3A_229] : memref<2x80x128xf32, #tpu.memory_space<vmem>> -> memref<1x80x128xf32, #tpu.memory_space<vmem>>
        %dma_start3A_231 = tpu.memref_squeeze %dma_start3A_230 : memref<1x80x128xf32, #tpu.memory_space<vmem>> -> memref<80x128xf32, #tpu.memory_space<vmem>>
        tpu.enqueue_dma source(%dma_start3A_231 : memref<80x128xf32, #tpu.memory_space<vmem>>) target(%dma_start3A_227 : memref<80x128xf32, #tpu.memory_space<vmem_shared>>) target_semaphore(%run_scoped3A_219 : memref<!tpu.dma_semaphore, #tpu.memory_space<semaphore_mem>>)
        %dma_wait3A_232 = arith.constant 0 : i32
        %dma_wait3A_233 = arith.constant 0 : i32
        %dma_wait3A_234 = tpu.memref_slice %arg5[%run_scoped3A_218, %dma_wait3A_232, %dma_wait3A_233] : memref<2x80x128xf32, #tpu.memory_space<vmem>> -> memref<1x80x128xf32, #tpu.memory_space<vmem>>
        %dma_wait3A_235 = tpu.memref_squeeze %dma_wait3A_234 : memref<1x80x128xf32, #tpu.memory_space<vmem>> -> memref<80x128xf32, #tpu.memory_space<vmem>>
        %dma_wait3A_236 = arith.constant 0 : i32
        %dma_wait3A_237 = tpu.memref_slice %arg7[%mul3A_217, %dma_wait3A_236] : memref<10000x128xf32, #tpu.memory_space<vmem_shared>> -> memref<80x128xf32, #tpu.memory_space<vmem_shared>>
        %dma_wait3A_238 = arith.constant 0 : i32
        %dma_wait3A_239 = tpu.memref_slice %arg7[%mul3A_217, %dma_wait3A_238] : memref<10000x128xf32, #tpu.memory_space<vmem_shared>> -> memref<80x128xf32, #tpu.memory_space<vmem_shared>>
        %dma_wait3A_240 = arith.constant 0 : i32
        %dma_wait3A_241 = arith.constant 0 : i32
        %dma_wait3A_242 = tpu.memref_slice %arg5[%run_scoped3A_218, %dma_wait3A_240, %dma_wait3A_241] : memref<2x80x128xf32, #tpu.memory_space<vmem>> -> memref<1x80x128xf32, #tpu.memory_space<vmem>>
        %dma_wait3A_243 = tpu.memref_squeeze %dma_wait3A_242 : memref<1x80x128xf32, #tpu.memory_space<vmem>> -> memref<80x128xf32, #tpu.memory_space<vmem>>
        tpu.wait_dma2 semaphore(%run_scoped3A_219 : memref<!tpu.dma_semaphore, #tpu.memory_space<semaphore_mem>>) src(%dma_wait3A_243 : memref<80x128xf32, #tpu.memory_space<vmem>>) dst(%dma_wait3A_239 : memref<80x128xf32, #tpu.memory_space<vmem_shared>>)
        tpu.yield
      }) : () -> ()
    } else {
    }
    %add3A_10 = arith.constant 16 : i32
    %add3A_11 = arith.addi %arg1, %add3A_10 : i32
    %lt3A_12 = arith.constant 125 : i32
    %lt3A_13 = arith.cmpi slt, %add3A_11, %lt3A_12 : i32
    %convert_element_type3A_14 = arith.extui %lt3A_13 : i1 to i32
    %cond3A_15 = arith.constant 0 : i32
    %cond3A_16 = arith.cmpi ne, %convert_element_type3A_14, %cond3A_15 : i32
    scf.if %cond3A_16 {
      %mul3A_216 = arith.constant 80 : i32
      %mul3A_217 = arith.muli %add3A_11, %mul3A_216 : i32
      %run_scoped3A_218 = arith.constant 0 : i32
      "tpu.region"() ({
        %run_scoped3A_219 = tpu.sem_alloc : memref<!tpu.dma_semaphore, #tpu.memory_space<semaphore_mem>>
        %dma_start3A_220 = arith.constant 0 : i32
        %dma_start3A_221 = arith.constant 0 : i32
        %dma_start3A_222 = tpu.memref_slice %arg5[%run_scoped3A_218, %dma_start3A_220, %dma_start3A_221] : memref<2x80x128xf32, #tpu.memory_space<vmem>> -> memref<1x80x128xf32, #tpu.memory_space<vmem>>
        %dma_start3A_223 = tpu.memref_squeeze %dma_start3A_222 : memref<1x80x128xf32, #tpu.memory_space<vmem>> -> memref<80x128xf32, #tpu.memory_space<vmem>>
        %dma_start3A_224 = arith.constant 0 : i32
        %dma_start3A_225 = tpu.memref_slice %arg7[%mul3A_217, %dma_start3A_224] : memref<10000x128xf32, #tpu.memory_space<vmem_shared>> -> memref<80x128xf32, #tpu.memory_space<vmem_shared>>
        %dma_start3A_226 = arith.constant 0 : i32
        %dma_start3A_227 = tpu.memref_slice %arg7[%mul3A_217, %dma_start3A_226] : memref<10000x128xf32, #tpu.memory_space<vmem_shared>> -> memref<80x128xf32, #tpu.memory_space<vmem_shared>>
        %dma_start3A_228 = arith.constant 0 : i32
        %dma_start3A_229 = arith.constant 0 : i32
        %dma_start3A_230 = tpu.memref_slice %arg5[%run_scoped3A_218, %dma_start3A_228, %dma_start3A_229] : memref<2x80x128xf32, #tpu.memory_space<vmem>> -> memref<1x80x128xf32, #tpu.memory_space<vmem>>
        %dma_start3A_231 = tpu.memref_squeeze %dma_start3A_230 : memref<1x80x128xf32, #tpu.memory_space<vmem>> -> memref<80x128xf32, #tpu.memory_space<vmem>>
        tpu.enqueue_dma source(%dma_start3A_231 : memref<80x128xf32, #tpu.memory_space<vmem>>) target(%dma_start3A_227 : memref<80x128xf32, #tpu.memory_space<vmem_shared>>) target_semaphore(%run_scoped3A_219 : memref<!tpu.dma_semaphore, #tpu.memory_space<semaphore_mem>>)
        %dma_wait3A_232 = arith.constant 0 : i32
        %dma_wait3A_233 = arith.constant 0 : i32
        %dma_wait3A_234 = tpu.memref_slice %arg5[%run_scoped3A_218, %dma_wait3A_232, %dma_wait3A_233] : memref<2x80x128xf32, #tpu.memory_space<vmem>> -> memref<1x80x128xf32, #tpu.memory_space<vmem>>
        %dma_wait3A_235 = tpu.memref_squeeze %dma_wait3A_234 : memref<1x80x128xf32, #tpu.memory_space<vmem>> -> memref<80x128xf32, #tpu.memory_space<vmem>>
        %dma_wait3A_236 = arith.constant 0 : i32
        %dma_wait3A_237 = tpu.memref_slice %arg7[%mul3A_217, %dma_wait3A_236] : memref<10000x128xf32, #tpu.memory_space<vmem_shared>> -> memref<80x128xf32, #tpu.memory_space<vmem_shared>>
        %dma_wait3A_238 = arith.constant 0 : i32
        %dma_wait3A_239 = tpu.memref_slice %arg7[%mul3A_217, %dma_wait3A_238] : memref<10000x128xf32, #tpu.memory_space<vmem_shared>> -> memref<80x128xf32, #tpu.memory_space<vmem_shared>>
        %dma_wait3A_240 = arith.constant 0 : i32
        %dma_wait3A_241 = arith.constant 0 : i32
        %dma_wait3A_242 = tpu.memref_slice %arg5[%run_scoped3A_218, %dma_wait3A_240, %dma_wait3A_241] : memref<2x80x128xf32, #tpu.memory_space<vmem>> -> memref<1x80x128xf32, #tpu.memory_space<vmem>>
        %dma_wait3A_243 = tpu.memref_squeeze %dma_wait3A_242 : memref<1x80x128xf32, #tpu.memory_space<vmem>> -> memref<80x128xf32, #tpu.memory_space<vmem>>
        tpu.wait_dma2 semaphore(%run_scoped3A_219 : memref<!tpu.dma_semaphore, #tpu.memory_space<semaphore_mem>>) src(%dma_wait3A_243 : memref<80x128xf32, #tpu.memory_space<vmem>>) dst(%dma_wait3A_239 : memref<80x128xf32, #tpu.memory_space<vmem_shared>>)
        tpu.yield
      }) : () -> ()
    } else {
    }
    %add3A_17 = arith.constant 32 : i32
    %add3A_18 = arith.addi %arg1, %add3A_17 : i32
    %lt3A_19 = arith.constant 125 : i32
    %lt3A_20 = arith.cmpi slt, %add3A_18, %lt3A_19 : i32
    %convert_element_type3A_21 = arith.extui %lt3A_20 : i1 to i32
    %cond3A_22 = arith.constant 0 : i32
    %cond3A_23 = arith.cmpi ne, %convert_element_type3A_21, %cond3A_22 : i32
    scf.if %cond3A_23 {
      %mul3A_216 = arith.constant 80 : i32
      %mul3A_217 = arith.muli %add3A_18, %mul3A_216 : i32
      %run_scoped3A_218 = arith.constant 0 : i32
      "tpu.region"() ({
        %run_scoped3A_219 = tpu.sem_alloc : memref<!tpu.dma_semaphore, #tpu.memory_space<semaphore_mem>>
        %dma_start3A_220 = arith.constant 0 : i32
        %dma_start3A_221 = arith.constant 0 : i32
        %dma_start3A_222 = tpu.memref_slice %arg5[%run_scoped3A_218, %dma_start3A_220, %dma_start3A_221] : memref<2x80x128xf32, #tpu.memory_space<vmem>> -> memref<1x80x128xf32, #tpu.memory_space<vmem>>
        %dma_start3A_223 = tpu.memref_squeeze %dma_start3A_222 : memref<1x80x128xf32, #tpu.memory_space<vmem>> -> memref<80x128xf32, #tpu.memory_space<vmem>>
        %dma_start3A_224 = arith.constant 0 : i32
        %dma_start3A_225 = tpu.memref_slice %arg7[%mul3A_217, %dma_start3A_224] : memref<10000x128xf32, #tpu.memory_space<vmem_shared>> -> memref<80x128xf32, #tpu.memory_space<vmem_shared>>
        %dma_start3A_226 = arith.constant 0 : i32
        %dma_start3A_227 = tpu.memref_slice %arg7[%mul3A_217, %dma_start3A_226] : memref<10000x128xf32, #tpu.memory_space<vmem_shared>> -> memref<80x128xf32, #tpu.memory_space<vmem_shared>>
        %dma_start3A_228 = arith.constant 0 : i32
        %dma_start3A_229 = arith.constant 0 : i32
        %dma_start3A_230 = tpu.memref_slice %arg5[%run_scoped3A_218, %dma_start3A_228, %dma_start3A_229] : memref<2x80x128xf32, #tpu.memory_space<vmem>> -> memref<1x80x128xf32, #tpu.memory_space<vmem>>
        %dma_start3A_231 = tpu.memref_squeeze %dma_start3A_230 : memref<1x80x128xf32, #tpu.memory_space<vmem>> -> memref<80x128xf32, #tpu.memory_space<vmem>>
        tpu.enqueue_dma source(%dma_start3A_231 : memref<80x128xf32, #tpu.memory_space<vmem>>) target(%dma_start3A_227 : memref<80x128xf32, #tpu.memory_space<vmem_shared>>) target_semaphore(%run_scoped3A_219 : memref<!tpu.dma_semaphore, #tpu.memory_space<semaphore_mem>>)
        %dma_wait3A_232 = arith.constant 0 : i32
        %dma_wait3A_233 = arith.constant 0 : i32
        %dma_wait3A_234 = tpu.memref_slice %arg5[%run_scoped3A_218, %dma_wait3A_232, %dma_wait3A_233] : memref<2x80x128xf32, #tpu.memory_space<vmem>> -> memref<1x80x128xf32, #tpu.memory_space<vmem>>
        %dma_wait3A_235 = tpu.memref_squeeze %dma_wait3A_234 : memref<1x80x128xf32, #tpu.memory_space<vmem>> -> memref<80x128xf32, #tpu.memory_space<vmem>>
        %dma_wait3A_236 = arith.constant 0 : i32
        %dma_wait3A_237 = tpu.memref_slice %arg7[%mul3A_217, %dma_wait3A_236] : memref<10000x128xf32, #tpu.memory_space<vmem_shared>> -> memref<80x128xf32, #tpu.memory_space<vmem_shared>>
        %dma_wait3A_238 = arith.constant 0 : i32
        %dma_wait3A_239 = tpu.memref_slice %arg7[%mul3A_217, %dma_wait3A_238] : memref<10000x128xf32, #tpu.memory_space<vmem_shared>> -> memref<80x128xf32, #tpu.memory_space<vmem_shared>>
        %dma_wait3A_240 = arith.constant 0 : i32
        %dma_wait3A_241 = arith.constant 0 : i32
        %dma_wait3A_242 = tpu.memref_slice %arg5[%run_scoped3A_218, %dma_wait3A_240, %dma_wait3A_241] : memref<2x80x128xf32, #tpu.memory_space<vmem>> -> memref<1x80x128xf32, #tpu.memory_space<vmem>>
        %dma_wait3A_243 = tpu.memref_squeeze %dma_wait3A_242 : memref<1x80x128xf32, #tpu.memory_space<vmem>> -> memref<80x128xf32, #tpu.memory_space<vmem>>
        tpu.wait_dma2 semaphore(%run_scoped3A_219 : memref<!tpu.dma_semaphore, #tpu.memory_space<semaphore_mem>>) src(%dma_wait3A_243 : memref<80x128xf32, #tpu.memory_space<vmem>>) dst(%dma_wait3A_239 : memref<80x128xf32, #tpu.memory_space<vmem_shared>>)
        tpu.yield
      }) : () -> ()
    } else {
    }
    %add3A_24 = arith.constant 48 : i32
    %add3A_25 = arith.addi %arg1, %add3A_24 : i32
    %lt3A_26 = arith.constant 125 : i32
    %lt3A_27 = arith.cmpi slt, %add3A_25, %lt3A_26 : i32
    %convert_element_type3A_28 = arith.extui %lt3A_27 : i1 to i32
    %cond3A_29 = arith.constant 0 : i32
    %cond3A_30 = arith.cmpi ne, %convert_element_type3A_28, %cond3A_29 : i32
    scf.if %cond3A_30 {
      %mul3A_216 = arith.constant 80 : i32
      %mul3A_217 = arith.muli %add3A_25, %mul3A_216 : i32
      %run_scoped3A_218 = arith.constant 0 : i32
      "tpu.region"() ({
        %run_scoped3A_219 = tpu.sem_alloc : memref<!tpu.dma_semaphore, #tpu.memory_space<semaphore_mem>>
        %dma_start3A_220 = arith.constant 0 : i32
        %dma_start3A_221 = arith.constant 0 : i32
        %dma_start3A_222 = tpu.memref_slice %arg5[%run_scoped3A_218, %dma_start3A_220, %dma_start3A_221] : memref<2x80x128xf32, #tpu.memory_space<vmem>> -> memref<1x80x128xf32, #tpu.memory_space<vmem>>
        %dma_start3A_223 = tpu.memref_squeeze %dma_start3A_222 : memref<1x80x128xf32, #tpu.memory_space<vmem>> -> memref<80x128xf32, #tpu.memory_space<vmem>>
        %dma_start3A_224 = arith.constant 0 : i32
        %dma_start3A_225 = tpu.memref_slice %arg7[%mul3A_217, %dma_start3A_224] : memref<10000x128xf32, #tpu.memory_space<vmem_shared>> -> memref<80x128xf32, #tpu.memory_space<vmem_shared>>
        %dma_start3A_226 = arith.constant 0 : i32
        %dma_start3A_227 = tpu.memref_slice %arg7[%mul3A_217, %dma_start3A_226] : memref<10000x128xf32, #tpu.memory_space<vmem_shared>> -> memref<80x128xf32, #tpu.memory_space<vmem_shared>>
        %dma_start3A_228 = arith.constant 0 : i32
        %dma_start3A_229 = arith.constant 0 : i32
        %dma_start3A_230 = tpu.memref_slice %arg5[%run_scoped3A_218, %dma_start3A_228, %dma_start3A_229] : memref<2x80x128xf32, #tpu.memory_space<vmem>> -> memref<1x80x128xf32, #tpu.memory_space<vmem>>
        %dma_start3A_231 = tpu.memref_squeeze %dma_start3A_230 : memref<1x80x128xf32, #tpu.memory_space<vmem>> -> memref<80x128xf32, #tpu.memory_space<vmem>>
        tpu.enqueue_dma source(%dma_start3A_231 : memref<80x128xf32, #tpu.memory_space<vmem>>) target(%dma_start3A_227 : memref<80x128xf32, #tpu.memory_space<vmem_shared>>) target_semaphore(%run_scoped3A_219 : memref<!tpu.dma_semaphore, #tpu.memory_space<semaphore_mem>>)
        %dma_wait3A_232 = arith.constant 0 : i32
        %dma_wait3A_233 = arith.constant 0 : i32
        %dma_wait3A_234 = tpu.memref_slice %arg5[%run_scoped3A_218, %dma_wait3A_232, %dma_wait3A_233] : memref<2x80x128xf32, #tpu.memory_space<vmem>> -> memref<1x80x128xf32, #tpu.memory_space<vmem>>
        %dma_wait3A_235 = tpu.memref_squeeze %dma_wait3A_234 : memref<1x80x128xf32, #tpu.memory_space<vmem>> -> memref<80x128xf32, #tpu.memory_space<vmem>>
        %dma_wait3A_236 = arith.constant 0 : i32
        %dma_wait3A_237 = tpu.memref_slice %arg7[%mul3A_217, %dma_wait3A_236] : memref<10000x128xf32, #tpu.memory_space<vmem_shared>> -> memref<80x128xf32, #tpu.memory_space<vmem_shared>>
        %dma_wait3A_238 = arith.constant 0 : i32
        %dma_wait3A_239 = tpu.memref_slice %arg7[%mul3A_217, %dma_wait3A_238] : memref<10000x128xf32, #tpu.memory_space<vmem_shared>> -> memref<80x128xf32, #tpu.memory_space<vmem_shared>>
        %dma_wait3A_240 = arith.constant 0 : i32
        %dma_wait3A_241 = arith.constant 0 : i32
        %dma_wait3A_242 = tpu.memref_slice %arg5[%run_scoped3A_218, %dma_wait3A_240, %dma_wait3A_241] : memref<2x80x128xf32, #tpu.memory_space<vmem>> -> memref<1x80x128xf32, #tpu.memory_space<vmem>>
        %dma_wait3A_243 = tpu.memref_squeeze %dma_wait3A_242 : memref<1x80x128xf32, #tpu.memory_space<vmem>> -> memref<80x128xf32, #tpu.memory_space<vmem>>
        tpu.wait_dma2 semaphore(%run_scoped3A_219 : memref<!tpu.dma_semaphore, #tpu.memory_space<semaphore_mem>>) src(%dma_wait3A_243 : memref<80x128xf32, #tpu.memory_space<vmem>>) dst(%dma_wait3A_239 : memref<80x128xf32, #tpu.memory_space<vmem_shared>>)
        tpu.yield
      }) : () -> ()
    } else {
    }
    %add3A_31 = arith.constant 64 : i32
    %add3A_32 = arith.addi %arg1, %add3A_31 : i32
    %lt3A_33 = arith.constant 125 : i32
    %lt3A_34 = arith.cmpi slt, %add3A_32, %lt3A_33 : i32
    %convert_element_type3A_35 = arith.extui %lt3A_34 : i1 to i32
    %cond3A_36 = arith.constant 0 : i32
    %cond3A_37 = arith.cmpi ne, %convert_element_type3A_35, %cond3A_36 : i32
    scf.if %cond3A_37 {
      %mul3A_216 = arith.constant 80 : i32
      %mul3A_217 = arith.muli %add3A_32, %mul3A_216 : i32
      %run_scoped3A_218 = arith.constant 0 : i32
      "tpu.region"() ({
        %run_scoped3A_219 = tpu.sem_alloc : memref<!tpu.dma_semaphore, #tpu.memory_space<semaphore_mem>>
        %dma_start3A_220 = arith.constant 0 : i32
        %dma_start3A_221 = arith.constant 0 : i32
        %dma_start3A_222 = tpu.memref_slice %arg5[%run_scoped3A_218, %dma_start3A_220, %dma_start3A_221] : memref<2x80x128xf32, #tpu.memory_space<vmem>> -> memref<1x80x128xf32, #tpu.memory_space<vmem>>
        %dma_start3A_223 = tpu.memref_squeeze %dma_start3A_222 : memref<1x80x128xf32, #tpu.memory_space<vmem>> -> memref<80x128xf32, #tpu.memory_space<vmem>>
        %dma_start3A_224 = arith.constant 0 : i32
        %dma_start3A_225 = tpu.memref_slice %arg7[%mul3A_217, %dma_start3A_224] : memref<10000x128xf32, #tpu.memory_space<vmem_shared>> -> memref<80x128xf32, #tpu.memory_space<vmem_shared>>
        %dma_start3A_226 = arith.constant 0 : i32
        %dma_start3A_227 = tpu.memref_slice %arg7[%mul3A_217, %dma_start3A_226] : memref<10000x128xf32, #tpu.memory_space<vmem_shared>> -> memref<80x128xf32, #tpu.memory_space<vmem_shared>>
        %dma_start3A_228 = arith.constant 0 : i32
        %dma_start3A_229 = arith.constant 0 : i32
        %dma_start3A_230 = tpu.memref_slice %arg5[%run_scoped3A_218, %dma_start3A_228, %dma_start3A_229] : memref<2x80x128xf32, #tpu.memory_space<vmem>> -> memref<1x80x128xf32, #tpu.memory_space<vmem>>
        %dma_start3A_231 = tpu.memref_squeeze %dma_start3A_230 : memref<1x80x128xf32, #tpu.memory_space<vmem>> -> memref<80x128xf32, #tpu.memory_space<vmem>>
        tpu.enqueue_dma source(%dma_start3A_231 : memref<80x128xf32, #tpu.memory_space<vmem>>) target(%dma_start3A_227 : memref<80x128xf32, #tpu.memory_space<vmem_shared>>) target_semaphore(%run_scoped3A_219 : memref<!tpu.dma_semaphore, #tpu.memory_space<semaphore_mem>>)
        %dma_wait3A_232 = arith.constant 0 : i32
        %dma_wait3A_233 = arith.constant 0 : i32
        %dma_wait3A_234 = tpu.memref_slice %arg5[%run_scoped3A_218, %dma_wait3A_232, %dma_wait3A_233] : memref<2x80x128xf32, #tpu.memory_space<vmem>> -> memref<1x80x128xf32, #tpu.memory_space<vmem>>
        %dma_wait3A_235 = tpu.memref_squeeze %dma_wait3A_234 : memref<1x80x128xf32, #tpu.memory_space<vmem>> -> memref<80x128xf32, #tpu.memory_space<vmem>>
        %dma_wait3A_236 = arith.constant 0 : i32
        %dma_wait3A_237 = tpu.memref_slice %arg7[%mul3A_217, %dma_wait3A_236] : memref<10000x128xf32, #tpu.memory_space<vmem_shared>> -> memref<80x128xf32, #tpu.memory_space<vmem_shared>>
        %dma_wait3A_238 = arith.constant 0 : i32
        %dma_wait3A_239 = tpu.memref_slice %arg7[%mul3A_217, %dma_wait3A_238] : memref<10000x128xf32, #tpu.memory_space<vmem_shared>> -> memref<80x128xf32, #tpu.memory_space<vmem_shared>>
        %dma_wait3A_240 = arith.constant 0 : i32
        %dma_wait3A_241 = arith.constant 0 : i32
        %dma_wait3A_242 = tpu.memref_slice %arg5[%run_scoped3A_218, %dma_wait3A_240, %dma_wait3A_241] : memref<2x80x128xf32, #tpu.memory_space<vmem>> -> memref<1x80x128xf32, #tpu.memory_space<vmem>>
        %dma_wait3A_243 = tpu.memref_squeeze %dma_wait3A_242 : memref<1x80x128xf32, #tpu.memory_space<vmem>> -> memref<80x128xf32, #tpu.memory_space<vmem>>
        tpu.wait_dma2 semaphore(%run_scoped3A_219 : memref<!tpu.dma_semaphore, #tpu.memory_space<semaphore_mem>>) src(%dma_wait3A_243 : memref<80x128xf32, #tpu.memory_space<vmem>>) dst(%dma_wait3A_239 : memref<80x128xf32, #tpu.memory_space<vmem_shared>>)
        tpu.yield
      }) : () -> ()
    } else {
    }
    %add3A_38 = arith.constant 80 : i32
    %add3A_39 = arith.addi %arg1, %add3A_38 : i32
    %lt3A_40 = arith.constant 125 : i32
    %lt3A_41 = arith.cmpi slt, %add3A_39, %lt3A_40 : i32
    %convert_element_type3A_42 = arith.extui %lt3A_41 : i1 to i32
    %cond3A_43 = arith.constant 0 : i32
    %cond3A_44 = arith.cmpi ne, %convert_element_type3A_42, %cond3A_43 : i32
    scf.if %cond3A_44 {
      %mul3A_216 = arith.constant 80 : i32
      %mul3A_217 = arith.muli %add3A_39, %mul3A_216 : i32
      %run_scoped3A_218 = arith.constant 0 : i32
      "tpu.region"() ({
        %run_scoped3A_219 = tpu.sem_alloc : memref<!tpu.dma_semaphore, #tpu.memory_space<semaphore_mem>>
        %dma_start3A_220 = arith.constant 0 : i32
        %dma_start3A_221 = arith.constant 0 : i32
        %dma_start3A_222 = tpu.memref_slice %arg5[%run_scoped3A_218, %dma_start3A_220, %dma_start3A_221] : memref<2x80x128xf32, #tpu.memory_space<vmem>> -> memref<1x80x128xf32, #tpu.memory_space<vmem>>
        %dma_start3A_223 = tpu.memref_squeeze %dma_start3A_222 : memref<1x80x128xf32, #tpu.memory_space<vmem>> -> memref<80x128xf32, #tpu.memory_space<vmem>>
        %dma_start3A_224 = arith.constant 0 : i32
        %dma_start3A_225 = tpu.memref_slice %arg7[%mul3A_217, %dma_start3A_224] : memref<10000x128xf32, #tpu.memory_space<vmem_shared>> -> memref<80x128xf32, #tpu.memory_space<vmem_shared>>
        %dma_start3A_226 = arith.constant 0 : i32
        %dma_start3A_227 = tpu.memref_slice %arg7[%mul3A_217, %dma_start3A_226] : memref<10000x128xf32, #tpu.memory_space<vmem_shared>> -> memref<80x128xf32, #tpu.memory_space<vmem_shared>>
        %dma_start3A_228 = arith.constant 0 : i32
        %dma_start3A_229 = arith.constant 0 : i32
        %dma_start3A_230 = tpu.memref_slice %arg5[%run_scoped3A_218, %dma_start3A_228, %dma_start3A_229] : memref<2x80x128xf32, #tpu.memory_space<vmem>> -> memref<1x80x128xf32, #tpu.memory_space<vmem>>
        %dma_start3A_231 = tpu.memref_squeeze %dma_start3A_230 : memref<1x80x128xf32, #tpu.memory_space<vmem>> -> memref<80x128xf32, #tpu.memory_space<vmem>>
        tpu.enqueue_dma source(%dma_start3A_231 : memref<80x128xf32, #tpu.memory_space<vmem>>) target(%dma_start3A_227 : memref<80x128xf32, #tpu.memory_space<vmem_shared>>) target_semaphore(%run_scoped3A_219 : memref<!tpu.dma_semaphore, #tpu.memory_space<semaphore_mem>>)
        %dma_wait3A_232 = arith.constant 0 : i32
        %dma_wait3A_233 = arith.constant 0 : i32
        %dma_wait3A_234 = tpu.memref_slice %arg5[%run_scoped3A_218, %dma_wait3A_232, %dma_wait3A_233] : memref<2x80x128xf32, #tpu.memory_space<vmem>> -> memref<1x80x128xf32, #tpu.memory_space<vmem>>
        %dma_wait3A_235 = tpu.memref_squeeze %dma_wait3A_234 : memref<1x80x128xf32, #tpu.memory_space<vmem>> -> memref<80x128xf32, #tpu.memory_space<vmem>>
        %dma_wait3A_236 = arith.constant 0 : i32
        %dma_wait3A_237 = tpu.memref_slice %arg7[%mul3A_217, %dma_wait3A_236] : memref<10000x128xf32, #tpu.memory_space<vmem_shared>> -> memref<80x128xf32, #tpu.memory_space<vmem_shared>>
        %dma_wait3A_238 = arith.constant 0 : i32
        %dma_wait3A_239 = tpu.memref_slice %arg7[%mul3A_217, %dma_wait3A_238] : memref<10000x128xf32, #tpu.memory_space<vmem_shared>> -> memref<80x128xf32, #tpu.memory_space<vmem_shared>>
        %dma_wait3A_240 = arith.constant 0 : i32
        %dma_wait3A_241 = arith.constant 0 : i32
        %dma_wait3A_242 = tpu.memref_slice %arg5[%run_scoped3A_218, %dma_wait3A_240, %dma_wait3A_241] : memref<2x80x128xf32, #tpu.memory_space<vmem>> -> memref<1x80x128xf32, #tpu.memory_space<vmem>>
        %dma_wait3A_243 = tpu.memref_squeeze %dma_wait3A_242 : memref<1x80x128xf32, #tpu.memory_space<vmem>> -> memref<80x128xf32, #tpu.memory_space<vmem>>
        tpu.wait_dma2 semaphore(%run_scoped3A_219 : memref<!tpu.dma_semaphore, #tpu.memory_space<semaphore_mem>>) src(%dma_wait3A_243 : memref<80x128xf32, #tpu.memory_space<vmem>>) dst(%dma_wait3A_239 : memref<80x128xf32, #tpu.memory_space<vmem_shared>>)
        tpu.yield
      }) : () -> ()
    } else {
    }
    %add3A_45 = arith.constant 96 : i32
    %add3A_46 = arith.addi %arg1, %add3A_45 : i32
    %lt3A_47 = arith.constant 125 : i32
    %lt3A_48 = arith.cmpi slt, %add3A_46, %lt3A_47 : i32
    %convert_element_type3A_49 = arith.extui %lt3A_48 : i1 to i32
    %cond3A_50 = arith.constant 0 : i32
    %cond3A_51 = arith.cmpi ne, %convert_element_type3A_49, %cond3A_50 : i32
    scf.if %cond3A_51 {
      %mul3A_216 = arith.constant 80 : i32
      %mul3A_217 = arith.muli %add3A_46, %mul3A_216 : i32
      %run_scoped3A_218 = arith.constant 0 : i32
      "tpu.region"() ({
        %run_scoped3A_219 = tpu.sem_alloc : memref<!tpu.dma_semaphore, #tpu.memory_space<semaphore_mem>>
        %dma_start3A_220 = arith.constant 0 : i32
        %dma_start3A_221 = arith.constant 0 : i32
        %dma_start3A_222 = tpu.memref_slice %arg5[%run_scoped3A_218, %dma_start3A_220, %dma_start3A_221] : memref<2x80x128xf32, #tpu.memory_space<vmem>> -> memref<1x80x128xf32, #tpu.memory_space<vmem>>
        %dma_start3A_223 = tpu.memref_squeeze %dma_start3A_222 : memref<1x80x128xf32, #tpu.memory_space<vmem>> -> memref<80x128xf32, #tpu.memory_space<vmem>>
        %dma_start3A_224 = arith.constant 0 : i32
        %dma_start3A_225 = tpu.memref_slice %arg7[%mul3A_217, %dma_start3A_224] : memref<10000x128xf32, #tpu.memory_space<vmem_shared>> -> memref<80x128xf32, #tpu.memory_space<vmem_shared>>
        %dma_start3A_226 = arith.constant 0 : i32
        %dma_start3A_227 = tpu.memref_slice %arg7[%mul3A_217, %dma_start3A_226] : memref<10000x128xf32, #tpu.memory_space<vmem_shared>> -> memref<80x128xf32, #tpu.memory_space<vmem_shared>>
        %dma_start3A_228 = arith.constant 0 : i32
        %dma_start3A_229 = arith.constant 0 : i32
        %dma_start3A_230 = tpu.memref_slice %arg5[%run_scoped3A_218, %dma_start3A_228, %dma_start3A_229] : memref<2x80x128xf32, #tpu.memory_space<vmem>> -> memref<1x80x128xf32, #tpu.memory_space<vmem>>
        %dma_start3A_231 = tpu.memref_squeeze %dma_start3A_230 : memref<1x80x128xf32, #tpu.memory_space<vmem>> -> memref<80x128xf32, #tpu.memory_space<vmem>>
        tpu.enqueue_dma source(%dma_start3A_231 : memref<80x128xf32, #tpu.memory_space<vmem>>) target(%dma_start3A_227 : memref<80x128xf32, #tpu.memory_space<vmem_shared>>) target_semaphore(%run_scoped3A_219 : memref<!tpu.dma_semaphore, #tpu.memory_space<semaphore_mem>>)
        %dma_wait3A_232 = arith.constant 0 : i32
        %dma_wait3A_233 = arith.constant 0 : i32
        %dma_wait3A_234 = tpu.memref_slice %arg5[%run_scoped3A_218, %dma_wait3A_232, %dma_wait3A_233] : memref<2x80x128xf32, #tpu.memory_space<vmem>> -> memref<1x80x128xf32, #tpu.memory_space<vmem>>
        %dma_wait3A_235 = tpu.memref_squeeze %dma_wait3A_234 : memref<1x80x128xf32, #tpu.memory_space<vmem>> -> memref<80x128xf32, #tpu.memory_space<vmem>>
        %dma_wait3A_236 = arith.constant 0 : i32
        %dma_wait3A_237 = tpu.memref_slice %arg7[%mul3A_217, %dma_wait3A_236] : memref<10000x128xf32, #tpu.memory_space<vmem_shared>> -> memref<80x128xf32, #tpu.memory_space<vmem_shared>>
        %dma_wait3A_238 = arith.constant 0 : i32
        %dma_wait3A_239 = tpu.memref_slice %arg7[%mul3A_217, %dma_wait3A_238] : memref<10000x128xf32, #tpu.memory_space<vmem_shared>> -> memref<80x128xf32, #tpu.memory_space<vmem_shared>>
        %dma_wait3A_240 = arith.constant 0 : i32
        %dma_wait3A_241 = arith.constant 0 : i32
        %dma_wait3A_242 = tpu.memref_slice %arg5[%run_scoped3A_218, %dma_wait3A_240, %dma_wait3A_241] : memref<2x80x128xf32, #tpu.memory_space<vmem>> -> memref<1x80x128xf32, #tpu.memory_space<vmem>>
        %dma_wait3A_243 = tpu.memref_squeeze %dma_wait3A_242 : memref<1x80x128xf32, #tpu.memory_space<vmem>> -> memref<80x128xf32, #tpu.memory_space<vmem>>
        tpu.wait_dma2 semaphore(%run_scoped3A_219 : memref<!tpu.dma_semaphore, #tpu.memory_space<semaphore_mem>>) src(%dma_wait3A_243 : memref<80x128xf32, #tpu.memory_space<vmem>>) dst(%dma_wait3A_239 : memref<80x128xf32, #tpu.memory_space<vmem_shared>>)
        tpu.yield
      }) : () -> ()
    } else {
    }
    %add3A_52 = arith.constant 112 : i32
    %add3A_53 = arith.addi %arg1, %add3A_52 : i32
    %lt3A_54 = arith.constant 125 : i32
    %lt3A_55 = arith.cmpi slt, %add3A_53, %lt3A_54 : i32
    %convert_element_type3A_56 = arith.extui %lt3A_55 : i1 to i32
    %cond3A_57 = arith.constant 0 : i32
    %cond3A_58 = arith.cmpi ne, %convert_element_type3A_56, %cond3A_57 : i32
    scf.if %cond3A_58 {
      %mul3A_216 = arith.constant 80 : i32
      %mul3A_217 = arith.muli %add3A_53, %mul3A_216 : i32
      %run_scoped3A_218 = arith.constant 0 : i32
      "tpu.region"() ({
        %run_scoped3A_219 = tpu.sem_alloc : memref<!tpu.dma_semaphore, #tpu.memory_space<semaphore_mem>>
        %dma_start3A_220 = arith.constant 0 : i32
        %dma_start3A_221 = arith.constant 0 : i32
        %dma_start3A_222 = tpu.memref_slice %arg5[%run_scoped3A_218, %dma_start3A_220, %dma_start3A_221] : memref<2x80x128xf32, #tpu.memory_space<vmem>> -> memref<1x80x128xf32, #tpu.memory_space<vmem>>
        %dma_start3A_223 = tpu.memref_squeeze %dma_start3A_222 : memref<1x80x128xf32, #tpu.memory_space<vmem>> -> memref<80x128xf32, #tpu.memory_space<vmem>>
        %dma_start3A_224 = arith.constant 0 : i32
        %dma_start3A_225 = tpu.memref_slice %arg7[%mul3A_217, %dma_start3A_224] : memref<10000x128xf32, #tpu.memory_space<vmem_shared>> -> memref<80x128xf32, #tpu.memory_space<vmem_shared>>
        %dma_start3A_226 = arith.constant 0 : i32
        %dma_start3A_227 = tpu.memref_slice %arg7[%mul3A_217, %dma_start3A_226] : memref<10000x128xf32, #tpu.memory_space<vmem_shared>> -> memref<80x128xf32, #tpu.memory_space<vmem_shared>>
        %dma_start3A_228 = arith.constant 0 : i32
        %dma_start3A_229 = arith.constant 0 : i32
        %dma_start3A_230 = tpu.memref_slice %arg5[%run_scoped3A_218, %dma_start3A_228, %dma_start3A_229] : memref<2x80x128xf32, #tpu.memory_space<vmem>> -> memref<1x80x128xf32, #tpu.memory_space<vmem>>
        %dma_start3A_231 = tpu.memref_squeeze %dma_start3A_230 : memref<1x80x128xf32, #tpu.memory_space<vmem>> -> memref<80x128xf32, #tpu.memory_space<vmem>>
        tpu.enqueue_dma source(%dma_start3A_231 : memref<80x128xf32, #tpu.memory_space<vmem>>) target(%dma_start3A_227 : memref<80x128xf32, #tpu.memory_space<vmem_shared>>) target_semaphore(%run_scoped3A_219 : memref<!tpu.dma_semaphore, #tpu.memory_space<semaphore_mem>>)
        %dma_wait3A_232 = arith.constant 0 : i32
        %dma_wait3A_233 = arith.constant 0 : i32
        %dma_wait3A_234 = tpu.memref_slice %arg5[%run_scoped3A_218, %dma_wait3A_232, %dma_wait3A_233] : memref<2x80x128xf32, #tpu.memory_space<vmem>> -> memref<1x80x128xf32, #tpu.memory_space<vmem>>
        %dma_wait3A_235 = tpu.memref_squeeze %dma_wait3A_234 : memref<1x80x128xf32, #tpu.memory_space<vmem>> -> memref<80x128xf32, #tpu.memory_space<vmem>>
        %dma_wait3A_236 = arith.constant 0 : i32
        %dma_wait3A_237 = tpu.memref_slice %arg7[%mul3A_217, %dma_wait3A_236] : memref<10000x128xf32, #tpu.memory_space<vmem_shared>> -> memref<80x128xf32, #tpu.memory_space<vmem_shared>>
        %dma_wait3A_238 = arith.constant 0 : i32
        %dma_wait3A_239 = tpu.memref_slice %arg7[%mul3A_217, %dma_wait3A_238] : memref<10000x128xf32, #tpu.memory_space<vmem_shared>> -> memref<80x128xf32, #tpu.memory_space<vmem_shared>>
        %dma_wait3A_240 = arith.constant 0 : i32
        %dma_wait3A_241 = arith.constant 0 : i32
        %dma_wait3A_242 = tpu.memref_slice %arg5[%run_scoped3A_218, %dma_wait3A_240, %dma_wait3A_241] : memref<2x80x128xf32, #tpu.memory_space<vmem>> -> memref<1x80x128xf32, #tpu.memory_space<vmem>>
        %dma_wait3A_243 = tpu.memref_squeeze %dma_wait3A_242 : memref<1x80x128xf32, #tpu.memory_space<vmem>> -> memref<80x128xf32, #tpu.memory_space<vmem>>
        tpu.wait_dma2 semaphore(%run_scoped3A_219 : memref<!tpu.dma_semaphore, #tpu.memory_space<semaphore_mem>>) src(%dma_wait3A_243 : memref<80x128xf32, #tpu.memory_space<vmem>>) dst(%dma_wait3A_239 : memref<80x128xf32, #tpu.memory_space<vmem_shared>>)
        tpu.yield
      }) : () -> ()
    } else {
    }
    %barrier3A = arith.constant 0 : index
    tpu.barrier barrier_id(%barrier3A)
    "tpu.region"() ({
      %run_scoped3A_216 = tpu.sem_alloc : memref<!tpu.dma_semaphore, #tpu.memory_space<semaphore_mem>>
      %dma_start3A_217 = arith.constant 0 : i32
      %dma_start3A_218 = arith.constant 0 : i32
      %dma_start3A_219 = tpu.memref_slice %arg3[%add3A, %dma_start3A_217, %dma_start3A_218] : memref<32x125x80xi32, #tpu.memory_space<hbm>> -> memref<1x125x80xi32, #tpu.memory_space<hbm>>
      %dma_start3A_220 = tpu.memref_squeeze %dma_start3A_219 : memref<1x125x80xi32, #tpu.memory_space<hbm>> -> memref<125x80xi32, #tpu.memory_space<hbm>>
      %dma_start3A_221 = arith.constant 0 : i32
      %dma_start3A_222 = arith.constant 0 : i32
      %dma_start3A_223 = tpu.memref_slice %arg3[%add3A, %dma_start3A_221, %dma_start3A_222] : memref<32x125x80xi32, #tpu.memory_space<hbm>> -> memref<1x125x80xi32, #tpu.memory_space<hbm>>
      %dma_start3A_224 = tpu.memref_squeeze %dma_start3A_223 : memref<1x125x80xi32, #tpu.memory_space<hbm>> -> memref<125x80xi32, #tpu.memory_space<hbm>>
      tpu.enqueue_dma source(%dma_start3A_224 : memref<125x80xi32, #tpu.memory_space<hbm>>) target(%arg6 : memref<125x80xi32, #tpu.memory_space<vmem>>) target_semaphore(%run_scoped3A_216 : memref<!tpu.dma_semaphore, #tpu.memory_space<semaphore_mem>>)
      %dma_wait3A_225 = arith.constant 0 : i32
      %dma_wait3A_226 = arith.constant 0 : i32
      %dma_wait3A_227 = tpu.memref_slice %arg3[%add3A, %dma_wait3A_225, %dma_wait3A_226] : memref<32x125x80xi32, #tpu.memory_space<hbm>> -> memref<1x125x80xi32, #tpu.memory_space<hbm>>
      %dma_wait3A_228 = tpu.memref_squeeze %dma_wait3A_227 : memref<1x125x80xi32, #tpu.memory_space<hbm>> -> memref<125x80xi32, #tpu.memory_space<hbm>>
      %dma_wait3A_229 = arith.constant 0 : i32
      %dma_wait3A_230 = arith.constant 0 : i32
      %dma_wait3A_231 = tpu.memref_slice %arg3[%add3A, %dma_wait3A_229, %dma_wait3A_230] : memref<32x125x80xi32, #tpu.memory_space<hbm>> -> memref<1x125x80xi32, #tpu.memory_space<hbm>>
      %dma_wait3A_232 = tpu.memref_squeeze %dma_wait3A_231 : memref<1x125x80xi32, #tpu.memory_space<hbm>> -> memref<125x80xi32, #tpu.memory_space<hbm>>
      tpu.wait_dma2 semaphore(%run_scoped3A_216 : memref<!tpu.dma_semaphore, #tpu.memory_space<semaphore_mem>>) src(%dma_wait3A_232 : memref<125x80xi32, #tpu.memory_space<hbm>>) dst(%arg6 : memref<125x80xi32, #tpu.memory_space<vmem>>)
      tpu.yield
    }) : () -> ()
    %mul3A_59 = arith.constant 10000 : i32
    %mul3A_60 = arith.muli %add3A, %mul3A_59 : i32
    %add3A_61 = arith.constant 0 : i32
    %add3A_62 = arith.addi %mul3A_60, %add3A_61 : i32
    %dma_start3A = arith.constant 0 : i32
    %dma_start3A_63 = arith.constant 0 : i32
    %dma_start3A_64 = arith.constant 0 : i32
    %dma_start3A_65 = tpu.memref_slice %arg5[%dma_start3A, %dma_start3A_63, %dma_start3A_64] : memref<2x80x128xf32, #tpu.memory_space<vmem>> -> memref<1x80x128xf32, #tpu.memory_space<vmem>>
    %dma_start3A_66 = tpu.memref_squeeze %dma_start3A_65 : memref<1x80x128xf32, #tpu.memory_space<vmem>> -> memref<80x128xf32, #tpu.memory_space<vmem>>
    %dma_start3A_67 = arith.constant 0 : i32
    %dma_start3A_68 = tpu.memref_slice %arg2[%add3A_62, %dma_start3A_67] : memref<320000x128xf32, #tpu.memory_space<hbm>> -> memref<80x128xf32, #tpu.memory_space<hbm>>
    %dma_start3A_69 = arith.constant 0 : i32
    %dma_start3A_70 = arith.constant 0 : i32
    %dma_start3A_71 = tpu.memref_slice %arg5[%dma_start3A, %dma_start3A_69, %dma_start3A_70] : memref<2x80x128xf32, #tpu.memory_space<vmem>> -> memref<1x80x128xf32, #tpu.memory_space<vmem>>
    %dma_start3A_72 = tpu.memref_squeeze %dma_start3A_71 : memref<1x80x128xf32, #tpu.memory_space<vmem>> -> memref<80x128xf32, #tpu.memory_space<vmem>>
    %dma_start3A_73 = arith.constant 0 : i32
    %dma_start3A_74 = tpu.memref_slice %arg2[%add3A_62, %dma_start3A_73] : memref<320000x128xf32, #tpu.memory_space<hbm>> -> memref<80x128xf32, #tpu.memory_space<hbm>>
    tpu.enqueue_dma source(%dma_start3A_74 : memref<80x128xf32, #tpu.memory_space<hbm>>) target(%dma_start3A_72 : memref<80x128xf32, #tpu.memory_space<vmem>>) target_semaphore(%arg8 : memref<!tpu.dma_semaphore, #tpu.memory_space<semaphore_mem>>)
    %add3A_75 = arith.constant 80 : i32
    %add3A_76 = arith.addi %mul3A_60, %add3A_75 : i32
    %dma_start3A_77 = arith.constant 1 : i32
    %dma_start3A_78 = arith.constant 0 : i32
    %dma_start3A_79 = arith.constant 0 : i32
    %dma_start3A_80 = tpu.memref_slice %arg5[%dma_start3A_77, %dma_start3A_78, %dma_start3A_79] : memref<2x80x128xf32, #tpu.memory_space<vmem>> -> memref<1x80x128xf32, #tpu.memory_space<vmem>>
    %dma_start3A_81 = tpu.memref_squeeze %dma_start3A_80 : memref<1x80x128xf32, #tpu.memory_space<vmem>> -> memref<80x128xf32, #tpu.memory_space<vmem>>
    %dma_start3A_82 = arith.constant 0 : i32
    %dma_start3A_83 = tpu.memref_slice %arg2[%add3A_76, %dma_start3A_82] : memref<320000x128xf32, #tpu.memory_space<hbm>> -> memref<80x128xf32, #tpu.memory_space<hbm>>
    %dma_start3A_84 = arith.constant 0 : i32
    %dma_start3A_85 = arith.constant 0 : i32
    %dma_start3A_86 = tpu.memref_slice %arg5[%dma_start3A_77, %dma_start3A_84, %dma_start3A_85] : memref<2x80x128xf32, #tpu.memory_space<vmem>> -> memref<1x80x128xf32, #tpu.memory_space<vmem>>
    %dma_start3A_87 = tpu.memref_squeeze %dma_start3A_86 : memref<1x80x128xf32, #tpu.memory_space<vmem>> -> memref<80x128xf32, #tpu.memory_space<vmem>>
    %dma_start3A_88 = arith.constant 0 : i32
    %dma_start3A_89 = tpu.memref_slice %arg2[%add3A_76, %dma_start3A_88] : memref<320000x128xf32, #tpu.memory_space<hbm>> -> memref<80x128xf32, #tpu.memory_space<hbm>>
    tpu.enqueue_dma source(%dma_start3A_89 : memref<80x128xf32, #tpu.memory_space<hbm>>) target(%dma_start3A_87 : memref<80x128xf32, #tpu.memory_space<vmem>>) target_semaphore(%arg9 : memref<!tpu.dma_semaphore, #tpu.memory_space<semaphore_mem>>)
    %scan3A_90 = arith.constant 0 : i32
    %scan3A_91 = arith.constant 61 : i32
    %scan3A_92 = arith.addi %scan3A_90, %scan3A_91 : i32
    %scan3A_93 = arith.constant 1 : i32
    scf.for %scan3A_216 = %scan3A_90 to %scan3A_92 step %scan3A_93  : i32 {
      %mul3A_217 = arith.constant 2 : i32
      %mul3A_218 = arith.muli %scan3A_216, %mul3A_217 : i32
      %add3A_219 = arith.constant 0 : i32
      %add3A_220 = arith.addi %add3A_219, %mul3A_218 : i32
      %add3A_221 = arith.constant 0 : i32
      %add3A_222 = arith.addi %add3A_220, %add3A_221 : i32
      %mul3A_223 = arith.constant 80 : i32
      %mul3A_224 = arith.muli %add3A_222, %mul3A_223 : i32
      %add3A_225 = arith.addi %mul3A_60, %mul3A_224 : i32
      %dma_wait3A_226 = arith.constant 0 : i32
      %dma_wait3A_227 = arith.constant 0 : i32
      %dma_wait3A_228 = arith.constant 0 : i32
      %dma_wait3A_229 = tpu.memref_slice %arg5[%dma_wait3A_226, %dma_wait3A_227, %dma_wait3A_228] : memref<2x80x128xf32, #tpu.memory_space<vmem>> -> memref<1x80x128xf32, #tpu.memory_space<vmem>>
      %dma_wait3A_230 = tpu.memref_squeeze %dma_wait3A_229 : memref<1x80x128xf32, #tpu.memory_space<vmem>> -> memref<80x128xf32, #tpu.memory_space<vmem>>
      %dma_wait3A_231 = arith.constant 0 : i32
      %dma_wait3A_232 = tpu.memref_slice %arg2[%add3A_225, %dma_wait3A_231] : memref<320000x128xf32, #tpu.memory_space<hbm>> -> memref<80x128xf32, #tpu.memory_space<hbm>>
      %dma_wait3A_233 = arith.constant 0 : i32
      %dma_wait3A_234 = arith.constant 0 : i32
      %dma_wait3A_235 = tpu.memref_slice %arg5[%dma_wait3A_226, %dma_wait3A_233, %dma_wait3A_234] : memref<2x80x128xf32, #tpu.memory_space<vmem>> -> memref<1x80x128xf32, #tpu.memory_space<vmem>>
      %dma_wait3A_236 = tpu.memref_squeeze %dma_wait3A_235 : memref<1x80x128xf32, #tpu.memory_space<vmem>> -> memref<80x128xf32, #tpu.memory_space<vmem>>
      %dma_wait3A_237 = arith.constant 0 : i32
      %dma_wait3A_238 = tpu.memref_slice %arg2[%add3A_225, %dma_wait3A_237] : memref<320000x128xf32, #tpu.memory_space<hbm>> -> memref<80x128xf32, #tpu.memory_space<hbm>>
      tpu.wait_dma2 semaphore(%arg8 : memref<!tpu.dma_semaphore, #tpu.memory_space<semaphore_mem>>) src(%dma_wait3A_238 : memref<80x128xf32, #tpu.memory_space<hbm>>) dst(%dma_wait3A_236 : memref<80x128xf32, #tpu.memory_space<vmem>>)
      %run_scoped3A_239 = arith.constant 0 : i32
      "tpu.region"() ({
        %run_scoped3A_295 = tpu.sem_alloc : memref<!tpu.dma_semaphore, #tpu.memory_space<semaphore_mem>>
        %dma_start3A_296 = arith.constant 0 : i32
        %dma_start3A_297 = arith.constant 0 : i32
        %dma_start3A_298 = tpu.memref_slice %arg5[%run_scoped3A_239, %dma_start3A_296, %dma_start3A_297] : memref<2x80x128xf32, #tpu.memory_space<vmem>> -> memref<1x80x128xf32, #tpu.memory_space<vmem>>
        %dma_start3A_299 = tpu.memref_squeeze %dma_start3A_298 : memref<1x80x128xf32, #tpu.memory_space<vmem>> -> memref<80x128xf32, #tpu.memory_space<vmem>>
        %dma_start3A_300 = arith.constant 0 : i32
        %dma_start3A_301 = tpu.memref_slice %arg6[%add3A_222, %dma_start3A_300] : memref<125x80xi32, #tpu.memory_space<vmem>> -> memref<1x80xi32, #tpu.memory_space<vmem>>
        %dma_start3A_302 = tpu.memref_squeeze %dma_start3A_301 : memref<1x80xi32, #tpu.memory_space<vmem>> -> memref<80xi32, #tpu.memory_space<vmem>>
        %dma_start3A_303 = arith.constant 0 : i32
        %dma_start3A_304 = arith.constant 0 : i32
        %dma_start3A_305 = tpu.memref_slice %arg7[%dma_start3A_303, %dma_start3A_304] : memref<10000x128xf32, #tpu.memory_space<vmem_shared>> -> memref<10000x128xf32, #tpu.memory_space<vmem_shared>>
        tpu.enqueue_indirect_dma source(%dma_start3A_299 : memref<80x128xf32, #tpu.memory_space<vmem>>) target(%dma_start3A_305 : memref<10000x128xf32, #tpu.memory_space<vmem_shared>>) offsets(%dma_start3A_302 : memref<80xi32, #tpu.memory_space<vmem>>) semaphore(%run_scoped3A_295 : memref<!tpu.dma_semaphore, #tpu.memory_space<semaphore_mem>>) {add = true}
        %dma_wait3A_306 = arith.constant 0 : i32
        %dma_wait3A_307 = arith.constant 0 : i32
        %dma_wait3A_308 = tpu.memref_slice %arg5[%run_scoped3A_239, %dma_wait3A_306, %dma_wait3A_307] : memref<2x80x128xf32, #tpu.memory_space<vmem>> -> memref<1x80x128xf32, #tpu.memory_space<vmem>>
        %dma_wait3A_309 = tpu.memref_squeeze %dma_wait3A_308 : memref<1x80x128xf32, #tpu.memory_space<vmem>> -> memref<80x128xf32, #tpu.memory_space<vmem>>
        %dma_wait3A_310 = arith.constant 0 : i32
        %dma_wait3A_311 = tpu.memref_slice %arg6[%add3A_222, %dma_wait3A_310] : memref<125x80xi32, #tpu.memory_space<vmem>> -> memref<1x80xi32, #tpu.memory_space<vmem>>
        %dma_wait3A_312 = tpu.memref_squeeze %dma_wait3A_311 : memref<1x80xi32, #tpu.memory_space<vmem>> -> memref<80xi32, #tpu.memory_space<vmem>>
        %dma_wait3A_313 = arith.constant 0 : i32
        %dma_wait3A_314 = arith.constant 0 : i32
        %dma_wait3A_315 = tpu.memref_slice %arg7[%dma_wait3A_313, %dma_wait3A_314] : memref<10000x128xf32, #tpu.memory_space<vmem_shared>> -> memref<10000x128xf32, #tpu.memory_space<vmem_shared>>
        tpu.wait_indirect_dma semaphore(%run_scoped3A_295 : memref<!tpu.dma_semaphore, #tpu.memory_space<semaphore_mem>>) src(%dma_wait3A_309 : memref<80x128xf32, #tpu.memory_space<vmem>>) dst(%dma_wait3A_315 : memref<10000x128xf32, #tpu.memory_space<vmem_shared>>)
        tpu.yield
      }) : () -> ()
      %add3A_240 = arith.constant 2 : i32
      %add3A_241 = arith.addi %add3A_222, %add3A_240 : i32
      %mul3A_242 = arith.constant 80 : i32
      %mul3A_243 = arith.muli %add3A_241, %mul3A_242 : i32
      %add3A_244 = arith.addi %mul3A_60, %mul3A_243 : i32
      %dma_start3A_245 = arith.constant 0 : i32
      %dma_start3A_246 = arith.constant 0 : i32
      %dma_start3A_247 = arith.constant 0 : i32
      %dma_start3A_248 = tpu.memref_slice %arg5[%dma_start3A_245, %dma_start3A_246, %dma_start3A_247] : memref<2x80x128xf32, #tpu.memory_space<vmem>> -> memref<1x80x128xf32, #tpu.memory_space<vmem>>
      %dma_start3A_249 = tpu.memref_squeeze %dma_start3A_248 : memref<1x80x128xf32, #tpu.memory_space<vmem>> -> memref<80x128xf32, #tpu.memory_space<vmem>>
      %dma_start3A_250 = arith.constant 0 : i32
      %dma_start3A_251 = tpu.memref_slice %arg2[%add3A_244, %dma_start3A_250] : memref<320000x128xf32, #tpu.memory_space<hbm>> -> memref<80x128xf32, #tpu.memory_space<hbm>>
      %dma_start3A_252 = arith.constant 0 : i32
      %dma_start3A_253 = arith.constant 0 : i32
      %dma_start3A_254 = tpu.memref_slice %arg5[%dma_start3A_245, %dma_start3A_252, %dma_start3A_253] : memref<2x80x128xf32, #tpu.memory_space<vmem>> -> memref<1x80x128xf32, #tpu.memory_space<vmem>>
      %dma_start3A_255 = tpu.memref_squeeze %dma_start3A_254 : memref<1x80x128xf32, #tpu.memory_space<vmem>> -> memref<80x128xf32, #tpu.memory_space<vmem>>
      %dma_start3A_256 = arith.constant 0 : i32
      %dma_start3A_257 = tpu.memref_slice %arg2[%add3A_244, %dma_start3A_256] : memref<320000x128xf32, #tpu.memory_space<hbm>> -> memref<80x128xf32, #tpu.memory_space<hbm>>
      tpu.enqueue_dma source(%dma_start3A_257 : memref<80x128xf32, #tpu.memory_space<hbm>>) target(%dma_start3A_255 : memref<80x128xf32, #tpu.memory_space<vmem>>) target_semaphore(%arg8 : memref<!tpu.dma_semaphore, #tpu.memory_space<semaphore_mem>>)
      %add3A_258 = arith.constant 1 : i32
      %add3A_259 = arith.addi %add3A_220, %add3A_258 : i32
      %mul3A_260 = arith.constant 80 : i32
      %mul3A_261 = arith.muli %add3A_259, %mul3A_260 : i32
      %add3A_262 = arith.addi %mul3A_60, %mul3A_261 : i32
      %dma_wait3A_263 = arith.constant 1 : i32
      %dma_wait3A_264 = arith.constant 0 : i32
      %dma_wait3A_265 = arith.constant 0 : i32
      %dma_wait3A_266 = tpu.memref_slice %arg5[%dma_wait3A_263, %dma_wait3A_264, %dma_wait3A_265] : memref<2x80x128xf32, #tpu.memory_space<vmem>> -> memref<1x80x128xf32, #tpu.memory_space<vmem>>
      %dma_wait3A_267 = tpu.memref_squeeze %dma_wait3A_266 : memref<1x80x128xf32, #tpu.memory_space<vmem>> -> memref<80x128xf32, #tpu.memory_space<vmem>>
      %dma_wait3A_268 = arith.constant 0 : i32
      %dma_wait3A_269 = tpu.memref_slice %arg2[%add3A_262, %dma_wait3A_268] : memref<320000x128xf32, #tpu.memory_space<hbm>> -> memref<80x128xf32, #tpu.memory_space<hbm>>
      %dma_wait3A_270 = arith.constant 0 : i32
      %dma_wait3A_271 = arith.constant 0 : i32
      %dma_wait3A_272 = tpu.memref_slice %arg5[%dma_wait3A_263, %dma_wait3A_270, %dma_wait3A_271] : memref<2x80x128xf32, #tpu.memory_space<vmem>> -> memref<1x80x128xf32, #tpu.memory_space<vmem>>
      %dma_wait3A_273 = tpu.memref_squeeze %dma_wait3A_272 : memref<1x80x128xf32, #tpu.memory_space<vmem>> -> memref<80x128xf32, #tpu.memory_space<vmem>>
      %dma_wait3A_274 = arith.constant 0 : i32
      %dma_wait3A_275 = tpu.memref_slice %arg2[%add3A_262, %dma_wait3A_274] : memref<320000x128xf32, #tpu.memory_space<hbm>> -> memref<80x128xf32, #tpu.memory_space<hbm>>
      tpu.wait_dma2 semaphore(%arg9 : memref<!tpu.dma_semaphore, #tpu.memory_space<semaphore_mem>>) src(%dma_wait3A_275 : memref<80x128xf32, #tpu.memory_space<hbm>>) dst(%dma_wait3A_273 : memref<80x128xf32, #tpu.memory_space<vmem>>)
      %run_scoped3A_276 = arith.constant 1 : i32
      "tpu.region"() ({
        %run_scoped3A_295 = tpu.sem_alloc : memref<!tpu.dma_semaphore, #tpu.memory_space<semaphore_mem>>
        %dma_start3A_296 = arith.constant 0 : i32
        %dma_start3A_297 = arith.constant 0 : i32
        %dma_start3A_298 = tpu.memref_slice %arg5[%run_scoped3A_276, %dma_start3A_296, %dma_start3A_297] : memref<2x80x128xf32, #tpu.memory_space<vmem>> -> memref<1x80x128xf32, #tpu.memory_space<vmem>>
        %dma_start3A_299 = tpu.memref_squeeze %dma_start3A_298 : memref<1x80x128xf32, #tpu.memory_space<vmem>> -> memref<80x128xf32, #tpu.memory_space<vmem>>
        %dma_start3A_300 = arith.constant 0 : i32
        %dma_start3A_301 = tpu.memref_slice %arg6[%add3A_259, %dma_start3A_300] : memref<125x80xi32, #tpu.memory_space<vmem>> -> memref<1x80xi32, #tpu.memory_space<vmem>>
        %dma_start3A_302 = tpu.memref_squeeze %dma_start3A_301 : memref<1x80xi32, #tpu.memory_space<vmem>> -> memref<80xi32, #tpu.memory_space<vmem>>
        %dma_start3A_303 = arith.constant 0 : i32
        %dma_start3A_304 = arith.constant 0 : i32
        %dma_start3A_305 = tpu.memref_slice %arg7[%dma_start3A_303, %dma_start3A_304] : memref<10000x128xf32, #tpu.memory_space<vmem_shared>> -> memref<10000x128xf32, #tpu.memory_space<vmem_shared>>
        tpu.enqueue_indirect_dma source(%dma_start3A_299 : memref<80x128xf32, #tpu.memory_space<vmem>>) target(%dma_start3A_305 : memref<10000x128xf32, #tpu.memory_space<vmem_shared>>) offsets(%dma_start3A_302 : memref<80xi32, #tpu.memory_space<vmem>>) semaphore(%run_scoped3A_295 : memref<!tpu.dma_semaphore, #tpu.memory_space<semaphore_mem>>) {add = true}
        %dma_wait3A_306 = arith.constant 0 : i32
        %dma_wait3A_307 = arith.constant 0 : i32
        %dma_wait3A_308 = tpu.memref_slice %arg5[%run_scoped3A_276, %dma_wait3A_306, %dma_wait3A_307] : memref<2x80x128xf32, #tpu.memory_space<vmem>> -> memref<1x80x128xf32, #tpu.memory_space<vmem>>
        %dma_wait3A_309 = tpu.memref_squeeze %dma_wait3A_308 : memref<1x80x128xf32, #tpu.memory_space<vmem>> -> memref<80x128xf32, #tpu.memory_space<vmem>>
        %dma_wait3A_310 = arith.constant 0 : i32
        %dma_wait3A_311 = tpu.memref_slice %arg6[%add3A_259, %dma_wait3A_310] : memref<125x80xi32, #tpu.memory_space<vmem>> -> memref<1x80xi32, #tpu.memory_space<vmem>>
        %dma_wait3A_312 = tpu.memref_squeeze %dma_wait3A_311 : memref<1x80xi32, #tpu.memory_space<vmem>> -> memref<80xi32, #tpu.memory_space<vmem>>
        %dma_wait3A_313 = arith.constant 0 : i32
        %dma_wait3A_314 = arith.constant 0 : i32
        %dma_wait3A_315 = tpu.memref_slice %arg7[%dma_wait3A_313, %dma_wait3A_314] : memref<10000x128xf32, #tpu.memory_space<vmem_shared>> -> memref<10000x128xf32, #tpu.memory_space<vmem_shared>>
        tpu.wait_indirect_dma semaphore(%run_scoped3A_295 : memref<!tpu.dma_semaphore, #tpu.memory_space<semaphore_mem>>) src(%dma_wait3A_309 : memref<80x128xf32, #tpu.memory_space<vmem>>) dst(%dma_wait3A_315 : memref<10000x128xf32, #tpu.memory_space<vmem_shared>>)
        tpu.yield
      }) : () -> ()
      %add3A_277 = arith.constant 2 : i32
      %add3A_278 = arith.addi %add3A_259, %add3A_277 : i32
      %mul3A_279 = arith.constant 80 : i32
      %mul3A_280 = arith.muli %add3A_278, %mul3A_279 : i32
      %add3A_281 = arith.addi %mul3A_60, %mul3A_280 : i32
      %dma_start3A_282 = arith.constant 1 : i32
      %dma_start3A_283 = arith.constant 0 : i32
      %dma_start3A_284 = arith.constant 0 : i32
      %dma_start3A_285 = tpu.memref_slice %arg5[%dma_start3A_282, %dma_start3A_283, %dma_start3A_284] : memref<2x80x128xf32, #tpu.memory_space<vmem>> -> memref<1x80x128xf32, #tpu.memory_space<vmem>>
      %dma_start3A_286 = tpu.memref_squeeze %dma_start3A_285 : memref<1x80x128xf32, #tpu.memory_space<vmem>> -> memref<80x128xf32, #tpu.memory_space<vmem>>
      %dma_start3A_287 = arith.constant 0 : i32
      %dma_start3A_288 = tpu.memref_slice %arg2[%add3A_281, %dma_start3A_287] : memref<320000x128xf32, #tpu.memory_space<hbm>> -> memref<80x128xf32, #tpu.memory_space<hbm>>
      %dma_start3A_289 = arith.constant 0 : i32
      %dma_start3A_290 = arith.constant 0 : i32
      %dma_start3A_291 = tpu.memref_slice %arg5[%dma_start3A_282, %dma_start3A_289, %dma_start3A_290] : memref<2x80x128xf32, #tpu.memory_space<vmem>> -> memref<1x80x128xf32, #tpu.memory_space<vmem>>
      %dma_start3A_292 = tpu.memref_squeeze %dma_start3A_291 : memref<1x80x128xf32, #tpu.memory_space<vmem>> -> memref<80x128xf32, #tpu.memory_space<vmem>>
      %dma_start3A_293 = arith.constant 0 : i32
      %dma_start3A_294 = tpu.memref_slice %arg2[%add3A_281, %dma_start3A_293] : memref<320000x128xf32, #tpu.memory_space<hbm>> -> memref<80x128xf32, #tpu.memory_space<hbm>>
      tpu.enqueue_dma source(%dma_start3A_294 : memref<80x128xf32, #tpu.memory_space<hbm>>) target(%dma_start3A_292 : memref<80x128xf32, #tpu.memory_space<vmem>>) target_semaphore(%arg9 : memref<!tpu.dma_semaphore, #tpu.memory_space<semaphore_mem>>)
    }
    %scan3A_94 = arith.constant 61 : i32
    %add3A_95 = arith.constant 9760 : i32
    %add3A_96 = arith.addi %mul3A_60, %add3A_95 : i32
    %dma_wait3A = arith.constant 0 : i32
    %dma_wait3A_97 = arith.constant 0 : i32
    %dma_wait3A_98 = arith.constant 0 : i32
    %dma_wait3A_99 = tpu.memref_slice %arg5[%dma_wait3A, %dma_wait3A_97, %dma_wait3A_98] : memref<2x80x128xf32, #tpu.memory_space<vmem>> -> memref<1x80x128xf32, #tpu.memory_space<vmem>>
    %dma_wait3A_100 = tpu.memref_squeeze %dma_wait3A_99 : memref<1x80x128xf32, #tpu.memory_space<vmem>> -> memref<80x128xf32, #tpu.memory_space<vmem>>
    %dma_wait3A_101 = arith.constant 0 : i32
    %dma_wait3A_102 = tpu.memref_slice %arg2[%add3A_96, %dma_wait3A_101] : memref<320000x128xf32, #tpu.memory_space<hbm>> -> memref<80x128xf32, #tpu.memory_space<hbm>>
    %dma_wait3A_103 = arith.constant 0 : i32
    %dma_wait3A_104 = arith.constant 0 : i32
    %dma_wait3A_105 = tpu.memref_slice %arg5[%dma_wait3A, %dma_wait3A_103, %dma_wait3A_104] : memref<2x80x128xf32, #tpu.memory_space<vmem>> -> memref<1x80x128xf32, #tpu.memory_space<vmem>>
    %dma_wait3A_106 = tpu.memref_squeeze %dma_wait3A_105 : memref<1x80x128xf32, #tpu.memory_space<vmem>> -> memref<80x128xf32, #tpu.memory_space<vmem>>
    %dma_wait3A_107 = arith.constant 0 : i32
    %dma_wait3A_108 = tpu.memref_slice %arg2[%add3A_96, %dma_wait3A_107] : memref<320000x128xf32, #tpu.memory_space<hbm>> -> memref<80x128xf32, #tpu.memory_space<hbm>>
    tpu.wait_dma2 semaphore(%arg8 : memref<!tpu.dma_semaphore, #tpu.memory_space<semaphore_mem>>) src(%dma_wait3A_108 : memref<80x128xf32, #tpu.memory_space<hbm>>) dst(%dma_wait3A_106 : memref<80x128xf32, #tpu.memory_space<vmem>>)
    %run_scoped3A = arith.constant 0 : i32
    %run_scoped3A_109 = arith.constant 122 : i32
    "tpu.region"() ({
      %run_scoped3A_216 = tpu.sem_alloc : memref<!tpu.dma_semaphore, #tpu.memory_space<semaphore_mem>>
      %dma_start3A_217 = arith.constant 0 : i32
      %dma_start3A_218 = arith.constant 0 : i32
      %dma_start3A_219 = tpu.memref_slice %arg5[%run_scoped3A, %dma_start3A_217, %dma_start3A_218] : memref<2x80x128xf32, #tpu.memory_space<vmem>> -> memref<1x80x128xf32, #tpu.memory_space<vmem>>
      %dma_start3A_220 = tpu.memref_squeeze %dma_start3A_219 : memref<1x80x128xf32, #tpu.memory_space<vmem>> -> memref<80x128xf32, #tpu.memory_space<vmem>>
      %dma_start3A_221 = arith.constant 0 : i32
      %dma_start3A_222 = tpu.memref_slice %arg6[%run_scoped3A_109, %dma_start3A_221] : memref<125x80xi32, #tpu.memory_space<vmem>> -> memref<1x80xi32, #tpu.memory_space<vmem>>
      %dma_start3A_223 = tpu.memref_squeeze %dma_start3A_222 : memref<1x80xi32, #tpu.memory_space<vmem>> -> memref<80xi32, #tpu.memory_space<vmem>>
      %dma_start3A_224 = arith.constant 0 : i32
      %dma_start3A_225 = arith.constant 0 : i32
      %dma_start3A_226 = tpu.memref_slice %arg7[%dma_start3A_224, %dma_start3A_225] : memref<10000x128xf32, #tpu.memory_space<vmem_shared>> -> memref<10000x128xf32, #tpu.memory_space<vmem_shared>>
      tpu.enqueue_indirect_dma source(%dma_start3A_220 : memref<80x128xf32, #tpu.memory_space<vmem>>) target(%dma_start3A_226 : memref<10000x128xf32, #tpu.memory_space<vmem_shared>>) offsets(%dma_start3A_223 : memref<80xi32, #tpu.memory_space<vmem>>) semaphore(%run_scoped3A_216 : memref<!tpu.dma_semaphore, #tpu.memory_space<semaphore_mem>>) {add = true}
      %dma_wait3A_227 = arith.constant 0 : i32
      %dma_wait3A_228 = arith.constant 0 : i32
      %dma_wait3A_229 = tpu.memref_slice %arg5[%run_scoped3A, %dma_wait3A_227, %dma_wait3A_228] : memref<2x80x128xf32, #tpu.memory_space<vmem>> -> memref<1x80x128xf32, #tpu.memory_space<vmem>>
      %dma_wait3A_230 = tpu.memref_squeeze %dma_wait3A_229 : memref<1x80x128xf32, #tpu.memory_space<vmem>> -> memref<80x128xf32, #tpu.memory_space<vmem>>
      %dma_wait3A_231 = arith.constant 0 : i32
      %dma_wait3A_232 = tpu.memref_slice %arg6[%run_scoped3A_109, %dma_wait3A_231] : memref<125x80xi32, #tpu.memory_space<vmem>> -> memref<1x80xi32, #tpu.memory_space<vmem>>
      %dma_wait3A_233 = tpu.memref_squeeze %dma_wait3A_232 : memref<1x80xi32, #tpu.memory_space<vmem>> -> memref<80xi32, #tpu.memory_space<vmem>>
      %dma_wait3A_234 = arith.constant 0 : i32
      %dma_wait3A_235 = arith.constant 0 : i32
      %dma_wait3A_236 = tpu.memref_slice %arg7[%dma_wait3A_234, %dma_wait3A_235] : memref<10000x128xf32, #tpu.memory_space<vmem_shared>> -> memref<10000x128xf32, #tpu.memory_space<vmem_shared>>
      tpu.wait_indirect_dma semaphore(%run_scoped3A_216 : memref<!tpu.dma_semaphore, #tpu.memory_space<semaphore_mem>>) src(%dma_wait3A_230 : memref<80x128xf32, #tpu.memory_space<vmem>>) dst(%dma_wait3A_236 : memref<10000x128xf32, #tpu.memory_space<vmem_shared>>)
      tpu.yield
    }) : () -> ()
    %add3A_110 = arith.constant 9920 : i32
    %add3A_111 = arith.addi %mul3A_60, %add3A_110 : i32
    %dma_start3A_112 = arith.constant 0 : i32
    %dma_start3A_113 = arith.constant 0 : i32
    %dma_start3A_114 = arith.constant 0 : i32
    %dma_start3A_115 = tpu.memref_slice %arg5[%dma_start3A_112, %dma_start3A_113, %dma_start3A_114] : memref<2x80x128xf32, #tpu.memory_space<vmem>> -> memref<1x80x128xf32, #tpu.memory_space<vmem>>
    %dma_start3A_116 = tpu.memref_squeeze %dma_start3A_115 : memref<1x80x128xf32, #tpu.memory_space<vmem>> -> memref<80x128xf32, #tpu.memory_space<vmem>>
    %dma_start3A_117 = arith.constant 0 : i32
    %dma_start3A_118 = tpu.memref_slice %arg2[%add3A_111, %dma_start3A_117] : memref<320000x128xf32, #tpu.memory_space<hbm>> -> memref<80x128xf32, #tpu.memory_space<hbm>>
    %dma_start3A_119 = arith.constant 0 : i32
    %dma_start3A_120 = arith.constant 0 : i32
    %dma_start3A_121 = tpu.memref_slice %arg5[%dma_start3A_112, %dma_start3A_119, %dma_start3A_120] : memref<2x80x128xf32, #tpu.memory_space<vmem>> -> memref<1x80x128xf32, #tpu.memory_space<vmem>>
    %dma_start3A_122 = tpu.memref_squeeze %dma_start3A_121 : memref<1x80x128xf32, #tpu.memory_space<vmem>> -> memref<80x128xf32, #tpu.memory_space<vmem>>
    %dma_start3A_123 = arith.constant 0 : i32
    %dma_start3A_124 = tpu.memref_slice %arg2[%add3A_111, %dma_start3A_123] : memref<320000x128xf32, #tpu.memory_space<hbm>> -> memref<80x128xf32, #tpu.memory_space<hbm>>
    tpu.enqueue_dma source(%dma_start3A_124 : memref<80x128xf32, #tpu.memory_space<hbm>>) target(%dma_start3A_122 : memref<80x128xf32, #tpu.memory_space<vmem>>) target_semaphore(%arg8 : memref<!tpu.dma_semaphore, #tpu.memory_space<semaphore_mem>>)
    %add3A_125 = arith.constant 9840 : i32
    %add3A_126 = arith.addi %mul3A_60, %add3A_125 : i32
    %dma_wait3A_127 = arith.constant 1 : i32
    %dma_wait3A_128 = arith.constant 0 : i32
    %dma_wait3A_129 = arith.constant 0 : i32
    %dma_wait3A_130 = tpu.memref_slice %arg5[%dma_wait3A_127, %dma_wait3A_128, %dma_wait3A_129] : memref<2x80x128xf32, #tpu.memory_space<vmem>> -> memref<1x80x128xf32, #tpu.memory_space<vmem>>
    %dma_wait3A_131 = tpu.memref_squeeze %dma_wait3A_130 : memref<1x80x128xf32, #tpu.memory_space<vmem>> -> memref<80x128xf32, #tpu.memory_space<vmem>>
    %dma_wait3A_132 = arith.constant 0 : i32
    %dma_wait3A_133 = tpu.memref_slice %arg2[%add3A_126, %dma_wait3A_132] : memref<320000x128xf32, #tpu.memory_space<hbm>> -> memref<80x128xf32, #tpu.memory_space<hbm>>
    %dma_wait3A_134 = arith.constant 0 : i32
    %dma_wait3A_135 = arith.constant 0 : i32
    %dma_wait3A_136 = tpu.memref_slice %arg5[%dma_wait3A_127, %dma_wait3A_134, %dma_wait3A_135] : memref<2x80x128xf32, #tpu.memory_space<vmem>> -> memref<1x80x128xf32, #tpu.memory_space<vmem>>
    %dma_wait3A_137 = tpu.memref_squeeze %dma_wait3A_136 : memref<1x80x128xf32, #tpu.memory_space<vmem>> -> memref<80x128xf32, #tpu.memory_space<vmem>>
    %dma_wait3A_138 = arith.constant 0 : i32
    %dma_wait3A_139 = tpu.memref_slice %arg2[%add3A_126, %dma_wait3A_138] : memref<320000x128xf32, #tpu.memory_space<hbm>> -> memref<80x128xf32, #tpu.memory_space<hbm>>
    tpu.wait_dma2 semaphore(%arg9 : memref<!tpu.dma_semaphore, #tpu.memory_space<semaphore_mem>>) src(%dma_wait3A_139 : memref<80x128xf32, #tpu.memory_space<hbm>>) dst(%dma_wait3A_137 : memref<80x128xf32, #tpu.memory_space<vmem>>)
    %run_scoped3A_140 = arith.constant 1 : i32
    %run_scoped3A_141 = arith.constant 123 : i32
    "tpu.region"() ({
      %run_scoped3A_216 = tpu.sem_alloc : memref<!tpu.dma_semaphore, #tpu.memory_space<semaphore_mem>>
      %dma_start3A_217 = arith.constant 0 : i32
      %dma_start3A_218 = arith.constant 0 : i32
      %dma_start3A_219 = tpu.memref_slice %arg5[%run_scoped3A_140, %dma_start3A_217, %dma_start3A_218] : memref<2x80x128xf32, #tpu.memory_space<vmem>> -> memref<1x80x128xf32, #tpu.memory_space<vmem>>
      %dma_start3A_220 = tpu.memref_squeeze %dma_start3A_219 : memref<1x80x128xf32, #tpu.memory_space<vmem>> -> memref<80x128xf32, #tpu.memory_space<vmem>>
      %dma_start3A_221 = arith.constant 0 : i32
      %dma_start3A_222 = tpu.memref_slice %arg6[%run_scoped3A_141, %dma_start3A_221] : memref<125x80xi32, #tpu.memory_space<vmem>> -> memref<1x80xi32, #tpu.memory_space<vmem>>
      %dma_start3A_223 = tpu.memref_squeeze %dma_start3A_222 : memref<1x80xi32, #tpu.memory_space<vmem>> -> memref<80xi32, #tpu.memory_space<vmem>>
      %dma_start3A_224 = arith.constant 0 : i32
      %dma_start3A_225 = arith.constant 0 : i32
      %dma_start3A_226 = tpu.memref_slice %arg7[%dma_start3A_224, %dma_start3A_225] : memref<10000x128xf32, #tpu.memory_space<vmem_shared>> -> memref<10000x128xf32, #tpu.memory_space<vmem_shared>>
      tpu.enqueue_indirect_dma source(%dma_start3A_220 : memref<80x128xf32, #tpu.memory_space<vmem>>) target(%dma_start3A_226 : memref<10000x128xf32, #tpu.memory_space<vmem_shared>>) offsets(%dma_start3A_223 : memref<80xi32, #tpu.memory_space<vmem>>) semaphore(%run_scoped3A_216 : memref<!tpu.dma_semaphore, #tpu.memory_space<semaphore_mem>>) {add = true}
      %dma_wait3A_227 = arith.constant 0 : i32
      %dma_wait3A_228 = arith.constant 0 : i32
      %dma_wait3A_229 = tpu.memref_slice %arg5[%run_scoped3A_140, %dma_wait3A_227, %dma_wait3A_228] : memref<2x80x128xf32, #tpu.memory_space<vmem>> -> memref<1x80x128xf32, #tpu.memory_space<vmem>>
      %dma_wait3A_230 = tpu.memref_squeeze %dma_wait3A_229 : memref<1x80x128xf32, #tpu.memory_space<vmem>> -> memref<80x128xf32, #tpu.memory_space<vmem>>
      %dma_wait3A_231 = arith.constant 0 : i32
      %dma_wait3A_232 = tpu.memref_slice %arg6[%run_scoped3A_141, %dma_wait3A_231] : memref<125x80xi32, #tpu.memory_space<vmem>> -> memref<1x80xi32, #tpu.memory_space<vmem>>
      %dma_wait3A_233 = tpu.memref_squeeze %dma_wait3A_232 : memref<1x80xi32, #tpu.memory_space<vmem>> -> memref<80xi32, #tpu.memory_space<vmem>>
      %dma_wait3A_234 = arith.constant 0 : i32
      %dma_wait3A_235 = arith.constant 0 : i32
      %dma_wait3A_236 = tpu.memref_slice %arg7[%dma_wait3A_234, %dma_wait3A_235] : memref<10000x128xf32, #tpu.memory_space<vmem_shared>> -> memref<10000x128xf32, #tpu.memory_space<vmem_shared>>
      tpu.wait_indirect_dma semaphore(%run_scoped3A_216 : memref<!tpu.dma_semaphore, #tpu.memory_space<semaphore_mem>>) src(%dma_wait3A_230 : memref<80x128xf32, #tpu.memory_space<vmem>>) dst(%dma_wait3A_236 : memref<10000x128xf32, #tpu.memory_space<vmem_shared>>)
      tpu.yield
    }) : () -> ()
    %add3A_142 = arith.constant 9920 : i32
    %add3A_143 = arith.addi %mul3A_60, %add3A_142 : i32
    %dma_wait3A_144 = arith.constant 0 : i32
    %dma_wait3A_145 = arith.constant 0 : i32
    %dma_wait3A_146 = arith.constant 0 : i32
    %dma_wait3A_147 = tpu.memref_slice %arg5[%dma_wait3A_144, %dma_wait3A_145, %dma_wait3A_146] : memref<2x80x128xf32, #tpu.memory_space<vmem>> -> memref<1x80x128xf32, #tpu.memory_space<vmem>>
    %dma_wait3A_148 = tpu.memref_squeeze %dma_wait3A_147 : memref<1x80x128xf32, #tpu.memory_space<vmem>> -> memref<80x128xf32, #tpu.memory_space<vmem>>
    %dma_wait3A_149 = arith.constant 0 : i32
    %dma_wait3A_150 = tpu.memref_slice %arg2[%add3A_143, %dma_wait3A_149] : memref<320000x128xf32, #tpu.memory_space<hbm>> -> memref<80x128xf32, #tpu.memory_space<hbm>>
    %dma_wait3A_151 = arith.constant 0 : i32
    %dma_wait3A_152 = arith.constant 0 : i32
    %dma_wait3A_153 = tpu.memref_slice %arg5[%dma_wait3A_144, %dma_wait3A_151, %dma_wait3A_152] : memref<2x80x128xf32, #tpu.memory_space<vmem>> -> memref<1x80x128xf32, #tpu.memory_space<vmem>>
    %dma_wait3A_154 = tpu.memref_squeeze %dma_wait3A_153 : memref<1x80x128xf32, #tpu.memory_space<vmem>> -> memref<80x128xf32, #tpu.memory_space<vmem>>
    %dma_wait3A_155 = arith.constant 0 : i32
    %dma_wait3A_156 = tpu.memref_slice %arg2[%add3A_143, %dma_wait3A_155] : memref<320000x128xf32, #tpu.memory_space<hbm>> -> memref<80x128xf32, #tpu.memory_space<hbm>>
    tpu.wait_dma2 semaphore(%arg8 : memref<!tpu.dma_semaphore, #tpu.memory_space<semaphore_mem>>) src(%dma_wait3A_156 : memref<80x128xf32, #tpu.memory_space<hbm>>) dst(%dma_wait3A_154 : memref<80x128xf32, #tpu.memory_space<vmem>>)
    %run_scoped3A_157 = arith.constant 0 : i32
    %run_scoped3A_158 = arith.constant 124 : i32
    "tpu.region"() ({
      %run_scoped3A_216 = tpu.sem_alloc : memref<!tpu.dma_semaphore, #tpu.memory_space<semaphore_mem>>
      %dma_start3A_217 = arith.constant 0 : i32
      %dma_start3A_218 = arith.constant 0 : i32
      %dma_start3A_219 = tpu.memref_slice %arg5[%run_scoped3A_157, %dma_start3A_217, %dma_start3A_218] : memref<2x80x128xf32, #tpu.memory_space<vmem>> -> memref<1x80x128xf32, #tpu.memory_space<vmem>>
      %dma_start3A_220 = tpu.memref_squeeze %dma_start3A_219 : memref<1x80x128xf32, #tpu.memory_space<vmem>> -> memref<80x128xf32, #tpu.memory_space<vmem>>
      %dma_start3A_221 = arith.constant 0 : i32
      %dma_start3A_222 = tpu.memref_slice %arg6[%run_scoped3A_158, %dma_start3A_221] : memref<125x80xi32, #tpu.memory_space<vmem>> -> memref<1x80xi32, #tpu.memory_space<vmem>>
      %dma_start3A_223 = tpu.memref_squeeze %dma_start3A_222 : memref<1x80xi32, #tpu.memory_space<vmem>> -> memref<80xi32, #tpu.memory_space<vmem>>
      %dma_start3A_224 = arith.constant 0 : i32
      %dma_start3A_225 = arith.constant 0 : i32
      %dma_start3A_226 = tpu.memref_slice %arg7[%dma_start3A_224, %dma_start3A_225] : memref<10000x128xf32, #tpu.memory_space<vmem_shared>> -> memref<10000x128xf32, #tpu.memory_space<vmem_shared>>
      tpu.enqueue_indirect_dma source(%dma_start3A_220 : memref<80x128xf32, #tpu.memory_space<vmem>>) target(%dma_start3A_226 : memref<10000x128xf32, #tpu.memory_space<vmem_shared>>) offsets(%dma_start3A_223 : memref<80xi32, #tpu.memory_space<vmem>>) semaphore(%run_scoped3A_216 : memref<!tpu.dma_semaphore, #tpu.memory_space<semaphore_mem>>) {add = true}
      %dma_wait3A_227 = arith.constant 0 : i32
      %dma_wait3A_228 = arith.constant 0 : i32
      %dma_wait3A_229 = tpu.memref_slice %arg5[%run_scoped3A_157, %dma_wait3A_227, %dma_wait3A_228] : memref<2x80x128xf32, #tpu.memory_space<vmem>> -> memref<1x80x128xf32, #tpu.memory_space<vmem>>
      %dma_wait3A_230 = tpu.memref_squeeze %dma_wait3A_229 : memref<1x80x128xf32, #tpu.memory_space<vmem>> -> memref<80x128xf32, #tpu.memory_space<vmem>>
      %dma_wait3A_231 = arith.constant 0 : i32
      %dma_wait3A_232 = tpu.memref_slice %arg6[%run_scoped3A_158, %dma_wait3A_231] : memref<125x80xi32, #tpu.memory_space<vmem>> -> memref<1x80xi32, #tpu.memory_space<vmem>>
      %dma_wait3A_233 = tpu.memref_squeeze %dma_wait3A_232 : memref<1x80xi32, #tpu.memory_space<vmem>> -> memref<80xi32, #tpu.memory_space<vmem>>
      %dma_wait3A_234 = arith.constant 0 : i32
      %dma_wait3A_235 = arith.constant 0 : i32
      %dma_wait3A_236 = tpu.memref_slice %arg7[%dma_wait3A_234, %dma_wait3A_235] : memref<10000x128xf32, #tpu.memory_space<vmem_shared>> -> memref<10000x128xf32, #tpu.memory_space<vmem_shared>>
      tpu.wait_indirect_dma semaphore(%run_scoped3A_216 : memref<!tpu.dma_semaphore, #tpu.memory_space<semaphore_mem>>) src(%dma_wait3A_230 : memref<80x128xf32, #tpu.memory_space<vmem>>) dst(%dma_wait3A_236 : memref<10000x128xf32, #tpu.memory_space<vmem_shared>>)
      tpu.yield
    }) : () -> ()
    %barrier3A_159 = arith.constant 0 : index
    tpu.barrier barrier_id(%barrier3A_159)
    %add3A_160 = arith.constant 0 : i32
    %add3A_161 = arith.addi %arg1, %add3A_160 : i32
    %lt3A_162 = arith.constant 125 : i32
    %lt3A_163 = arith.cmpi slt, %add3A_161, %lt3A_162 : i32
    %convert_element_type3A_164 = arith.extui %lt3A_163 : i1 to i32
    %cond3A_165 = arith.constant 0 : i32
    %cond3A_166 = arith.cmpi ne, %convert_element_type3A_164, %cond3A_165 : i32
    scf.if %cond3A_166 {
      %mul3A_216 = arith.constant 80 : i32
      %mul3A_217 = arith.muli %add3A_161, %mul3A_216 : i32
      %mul3A_218 = arith.constant 80 : i32
      %mul3A_219 = arith.muli %add3A_161, %mul3A_218 : i32
      "tpu.region"() ({
        %run_scoped3A_220 = tpu.sem_alloc : memref<!tpu.dma_semaphore, #tpu.memory_space<semaphore_mem>>
        %dma_start3A_221 = arith.constant 0 : i32
        %dma_start3A_222 = tpu.memref_slice %arg4[%arg0, %mul3A_219, %dma_start3A_221] : memref<2x10000x128xf32, #tpu.memory_space<hbm>> -> memref<1x80x128xf32, #tpu.memory_space<hbm>>
        %dma_start3A_223 = tpu.memref_squeeze %dma_start3A_222 : memref<1x80x128xf32, #tpu.memory_space<hbm>> -> memref<80x128xf32, #tpu.memory_space<hbm>>
        %dma_start3A_224 = arith.constant 0 : i32
        %dma_start3A_225 = tpu.memref_slice %arg7[%mul3A_217, %dma_start3A_224] : memref<10000x128xf32, #tpu.memory_space<vmem_shared>> -> memref<80x128xf32, #tpu.memory_space<vmem_shared>>
        tpu.enqueue_dma source(%dma_start3A_225 : memref<80x128xf32, #tpu.memory_space<vmem_shared>>) target(%dma_start3A_223 : memref<80x128xf32, #tpu.memory_space<hbm>>) target_semaphore(%run_scoped3A_220 : memref<!tpu.dma_semaphore, #tpu.memory_space<semaphore_mem>>)
        %dma_wait3A_226 = arith.constant 0 : i32
        %dma_wait3A_227 = tpu.memref_slice %arg4[%arg0, %mul3A_219, %dma_wait3A_226] : memref<2x10000x128xf32, #tpu.memory_space<hbm>> -> memref<1x80x128xf32, #tpu.memory_space<hbm>>
        %dma_wait3A_228 = tpu.memref_squeeze %dma_wait3A_227 : memref<1x80x128xf32, #tpu.memory_space<hbm>> -> memref<80x128xf32, #tpu.memory_space<hbm>>
        %dma_wait3A_229 = arith.constant 0 : i32
        %dma_wait3A_230 = tpu.memref_slice %arg7[%mul3A_217, %dma_wait3A_229] : memref<10000x128xf32, #tpu.memory_space<vmem_shared>> -> memref<80x128xf32, #tpu.memory_space<vmem_shared>>
        tpu.wait_dma2 semaphore(%run_scoped3A_220 : memref<!tpu.dma_semaphore, #tpu.memory_space<semaphore_mem>>) src(%dma_wait3A_230 : memref<80x128xf32, #tpu.memory_space<vmem_shared>>) dst(%dma_wait3A_228 : memref<80x128xf32, #tpu.memory_space<hbm>>)
        tpu.yield
      }) : () -> ()
    } else {
    }
    %add3A_167 = arith.constant 16 : i32
    %add3A_168 = arith.addi %arg1, %add3A_167 : i32
    %lt3A_169 = arith.constant 125 : i32
    %lt3A_170 = arith.cmpi slt, %add3A_168, %lt3A_169 : i32
    %convert_element_type3A_171 = arith.extui %lt3A_170 : i1 to i32
    %cond3A_172 = arith.constant 0 : i32
    %cond3A_173 = arith.cmpi ne, %convert_element_type3A_171, %cond3A_172 : i32
    scf.if %cond3A_173 {
      %mul3A_216 = arith.constant 80 : i32
      %mul3A_217 = arith.muli %add3A_168, %mul3A_216 : i32
      %mul3A_218 = arith.constant 80 : i32
      %mul3A_219 = arith.muli %add3A_168, %mul3A_218 : i32
      "tpu.region"() ({
        %run_scoped3A_220 = tpu.sem_alloc : memref<!tpu.dma_semaphore, #tpu.memory_space<semaphore_mem>>
        %dma_start3A_221 = arith.constant 0 : i32
        %dma_start3A_222 = tpu.memref_slice %arg4[%arg0, %mul3A_219, %dma_start3A_221] : memref<2x10000x128xf32, #tpu.memory_space<hbm>> -> memref<1x80x128xf32, #tpu.memory_space<hbm>>
        %dma_start3A_223 = tpu.memref_squeeze %dma_start3A_222 : memref<1x80x128xf32, #tpu.memory_space<hbm>> -> memref<80x128xf32, #tpu.memory_space<hbm>>
        %dma_start3A_224 = arith.constant 0 : i32
        %dma_start3A_225 = tpu.memref_slice %arg7[%mul3A_217, %dma_start3A_224] : memref<10000x128xf32, #tpu.memory_space<vmem_shared>> -> memref<80x128xf32, #tpu.memory_space<vmem_shared>>
        tpu.enqueue_dma source(%dma_start3A_225 : memref<80x128xf32, #tpu.memory_space<vmem_shared>>) target(%dma_start3A_223 : memref<80x128xf32, #tpu.memory_space<hbm>>) target_semaphore(%run_scoped3A_220 : memref<!tpu.dma_semaphore, #tpu.memory_space<semaphore_mem>>)
        %dma_wait3A_226 = arith.constant 0 : i32
        %dma_wait3A_227 = tpu.memref_slice %arg4[%arg0, %mul3A_219, %dma_wait3A_226] : memref<2x10000x128xf32, #tpu.memory_space<hbm>> -> memref<1x80x128xf32, #tpu.memory_space<hbm>>
        %dma_wait3A_228 = tpu.memref_squeeze %dma_wait3A_227 : memref<1x80x128xf32, #tpu.memory_space<hbm>> -> memref<80x128xf32, #tpu.memory_space<hbm>>
        %dma_wait3A_229 = arith.constant 0 : i32
        %dma_wait3A_230 = tpu.memref_slice %arg7[%mul3A_217, %dma_wait3A_229] : memref<10000x128xf32, #tpu.memory_space<vmem_shared>> -> memref<80x128xf32, #tpu.memory_space<vmem_shared>>
        tpu.wait_dma2 semaphore(%run_scoped3A_220 : memref<!tpu.dma_semaphore, #tpu.memory_space<semaphore_mem>>) src(%dma_wait3A_230 : memref<80x128xf32, #tpu.memory_space<vmem_shared>>) dst(%dma_wait3A_228 : memref<80x128xf32, #tpu.memory_space<hbm>>)
        tpu.yield
      }) : () -> ()
    } else {
    }
    %add3A_174 = arith.constant 32 : i32
    %add3A_175 = arith.addi %arg1, %add3A_174 : i32
    %lt3A_176 = arith.constant 125 : i32
    %lt3A_177 = arith.cmpi slt, %add3A_175, %lt3A_176 : i32
    %convert_element_type3A_178 = arith.extui %lt3A_177 : i1 to i32
    %cond3A_179 = arith.constant 0 : i32
    %cond3A_180 = arith.cmpi ne, %convert_element_type3A_178, %cond3A_179 : i32
    scf.if %cond3A_180 {
      %mul3A_216 = arith.constant 80 : i32
      %mul3A_217 = arith.muli %add3A_175, %mul3A_216 : i32
      %mul3A_218 = arith.constant 80 : i32
      %mul3A_219 = arith.muli %add3A_175, %mul3A_218 : i32
      "tpu.region"() ({
        %run_scoped3A_220 = tpu.sem_alloc : memref<!tpu.dma_semaphore, #tpu.memory_space<semaphore_mem>>
        %dma_start3A_221 = arith.constant 0 : i32
        %dma_start3A_222 = tpu.memref_slice %arg4[%arg0, %mul3A_219, %dma_start3A_221] : memref<2x10000x128xf32, #tpu.memory_space<hbm>> -> memref<1x80x128xf32, #tpu.memory_space<hbm>>
        %dma_start3A_223 = tpu.memref_squeeze %dma_start3A_222 : memref<1x80x128xf32, #tpu.memory_space<hbm>> -> memref<80x128xf32, #tpu.memory_space<hbm>>
        %dma_start3A_224 = arith.constant 0 : i32
        %dma_start3A_225 = tpu.memref_slice %arg7[%mul3A_217, %dma_start3A_224] : memref<10000x128xf32, #tpu.memory_space<vmem_shared>> -> memref<80x128xf32, #tpu.memory_space<vmem_shared>>
        tpu.enqueue_dma source(%dma_start3A_225 : memref<80x128xf32, #tpu.memory_space<vmem_shared>>) target(%dma_start3A_223 : memref<80x128xf32, #tpu.memory_space<hbm>>) target_semaphore(%run_scoped3A_220 : memref<!tpu.dma_semaphore, #tpu.memory_space<semaphore_mem>>)
        %dma_wait3A_226 = arith.constant 0 : i32
        %dma_wait3A_227 = tpu.memref_slice %arg4[%arg0, %mul3A_219, %dma_wait3A_226] : memref<2x10000x128xf32, #tpu.memory_space<hbm>> -> memref<1x80x128xf32, #tpu.memory_space<hbm>>
        %dma_wait3A_228 = tpu.memref_squeeze %dma_wait3A_227 : memref<1x80x128xf32, #tpu.memory_space<hbm>> -> memref<80x128xf32, #tpu.memory_space<hbm>>
        %dma_wait3A_229 = arith.constant 0 : i32
        %dma_wait3A_230 = tpu.memref_slice %arg7[%mul3A_217, %dma_wait3A_229] : memref<10000x128xf32, #tpu.memory_space<vmem_shared>> -> memref<80x128xf32, #tpu.memory_space<vmem_shared>>
        tpu.wait_dma2 semaphore(%run_scoped3A_220 : memref<!tpu.dma_semaphore, #tpu.memory_space<semaphore_mem>>) src(%dma_wait3A_230 : memref<80x128xf32, #tpu.memory_space<vmem_shared>>) dst(%dma_wait3A_228 : memref<80x128xf32, #tpu.memory_space<hbm>>)
        tpu.yield
      }) : () -> ()
    } else {
    }
    %add3A_181 = arith.constant 48 : i32
    %add3A_182 = arith.addi %arg1, %add3A_181 : i32
    %lt3A_183 = arith.constant 125 : i32
    %lt3A_184 = arith.cmpi slt, %add3A_182, %lt3A_183 : i32
    %convert_element_type3A_185 = arith.extui %lt3A_184 : i1 to i32
    %cond3A_186 = arith.constant 0 : i32
    %cond3A_187 = arith.cmpi ne, %convert_element_type3A_185, %cond3A_186 : i32
    scf.if %cond3A_187 {
      %mul3A_216 = arith.constant 80 : i32
      %mul3A_217 = arith.muli %add3A_182, %mul3A_216 : i32
      %mul3A_218 = arith.constant 80 : i32
      %mul3A_219 = arith.muli %add3A_182, %mul3A_218 : i32
      "tpu.region"() ({
        %run_scoped3A_220 = tpu.sem_alloc : memref<!tpu.dma_semaphore, #tpu.memory_space<semaphore_mem>>
        %dma_start3A_221 = arith.constant 0 : i32
        %dma_start3A_222 = tpu.memref_slice %arg4[%arg0, %mul3A_219, %dma_start3A_221] : memref<2x10000x128xf32, #tpu.memory_space<hbm>> -> memref<1x80x128xf32, #tpu.memory_space<hbm>>
        %dma_start3A_223 = tpu.memref_squeeze %dma_start3A_222 : memref<1x80x128xf32, #tpu.memory_space<hbm>> -> memref<80x128xf32, #tpu.memory_space<hbm>>
        %dma_start3A_224 = arith.constant 0 : i32
        %dma_start3A_225 = tpu.memref_slice %arg7[%mul3A_217, %dma_start3A_224] : memref<10000x128xf32, #tpu.memory_space<vmem_shared>> -> memref<80x128xf32, #tpu.memory_space<vmem_shared>>
        tpu.enqueue_dma source(%dma_start3A_225 : memref<80x128xf32, #tpu.memory_space<vmem_shared>>) target(%dma_start3A_223 : memref<80x128xf32, #tpu.memory_space<hbm>>) target_semaphore(%run_scoped3A_220 : memref<!tpu.dma_semaphore, #tpu.memory_space<semaphore_mem>>)
        %dma_wait3A_226 = arith.constant 0 : i32
        %dma_wait3A_227 = tpu.memref_slice %arg4[%arg0, %mul3A_219, %dma_wait3A_226] : memref<2x10000x128xf32, #tpu.memory_space<hbm>> -> memref<1x80x128xf32, #tpu.memory_space<hbm>>
        %dma_wait3A_228 = tpu.memref_squeeze %dma_wait3A_227 : memref<1x80x128xf32, #tpu.memory_space<hbm>> -> memref<80x128xf32, #tpu.memory_space<hbm>>
        %dma_wait3A_229 = arith.constant 0 : i32
        %dma_wait3A_230 = tpu.memref_slice %arg7[%mul3A_217, %dma_wait3A_229] : memref<10000x128xf32, #tpu.memory_space<vmem_shared>> -> memref<80x128xf32, #tpu.memory_space<vmem_shared>>
        tpu.wait_dma2 semaphore(%run_scoped3A_220 : memref<!tpu.dma_semaphore, #tpu.memory_space<semaphore_mem>>) src(%dma_wait3A_230 : memref<80x128xf32, #tpu.memory_space<vmem_shared>>) dst(%dma_wait3A_228 : memref<80x128xf32, #tpu.memory_space<hbm>>)
        tpu.yield
      }) : () -> ()
    } else {
    }
    %add3A_188 = arith.constant 64 : i32
    %add3A_189 = arith.addi %arg1, %add3A_188 : i32
    %lt3A_190 = arith.constant 125 : i32
    %lt3A_191 = arith.cmpi slt, %add3A_189, %lt3A_190 : i32
    %convert_element_type3A_192 = arith.extui %lt3A_191 : i1 to i32
    %cond3A_193 = arith.constant 0 : i32
    %cond3A_194 = arith.cmpi ne, %convert_element_type3A_192, %cond3A_193 : i32
    scf.if %cond3A_194 {
      %mul3A_216 = arith.constant 80 : i32
      %mul3A_217 = arith.muli %add3A_189, %mul3A_216 : i32
      %mul3A_218 = arith.constant 80 : i32
      %mul3A_219 = arith.muli %add3A_189, %mul3A_218 : i32
      "tpu.region"() ({
        %run_scoped3A_220 = tpu.sem_alloc : memref<!tpu.dma_semaphore, #tpu.memory_space<semaphore_mem>>
        %dma_start3A_221 = arith.constant 0 : i32
        %dma_start3A_222 = tpu.memref_slice %arg4[%arg0, %mul3A_219, %dma_start3A_221] : memref<2x10000x128xf32, #tpu.memory_space<hbm>> -> memref<1x80x128xf32, #tpu.memory_space<hbm>>
        %dma_start3A_223 = tpu.memref_squeeze %dma_start3A_222 : memref<1x80x128xf32, #tpu.memory_space<hbm>> -> memref<80x128xf32, #tpu.memory_space<hbm>>
        %dma_start3A_224 = arith.constant 0 : i32
        %dma_start3A_225 = tpu.memref_slice %arg7[%mul3A_217, %dma_start3A_224] : memref<10000x128xf32, #tpu.memory_space<vmem_shared>> -> memref<80x128xf32, #tpu.memory_space<vmem_shared>>
        tpu.enqueue_dma source(%dma_start3A_225 : memref<80x128xf32, #tpu.memory_space<vmem_shared>>) target(%dma_start3A_223 : memref<80x128xf32, #tpu.memory_space<hbm>>) target_semaphore(%run_scoped3A_220 : memref<!tpu.dma_semaphore, #tpu.memory_space<semaphore_mem>>)
        %dma_wait3A_226 = arith.constant 0 : i32
        %dma_wait3A_227 = tpu.memref_slice %arg4[%arg0, %mul3A_219, %dma_wait3A_226] : memref<2x10000x128xf32, #tpu.memory_space<hbm>> -> memref<1x80x128xf32, #tpu.memory_space<hbm>>
        %dma_wait3A_228 = tpu.memref_squeeze %dma_wait3A_227 : memref<1x80x128xf32, #tpu.memory_space<hbm>> -> memref<80x128xf32, #tpu.memory_space<hbm>>
        %dma_wait3A_229 = arith.constant 0 : i32
        %dma_wait3A_230 = tpu.memref_slice %arg7[%mul3A_217, %dma_wait3A_229] : memref<10000x128xf32, #tpu.memory_space<vmem_shared>> -> memref<80x128xf32, #tpu.memory_space<vmem_shared>>
        tpu.wait_dma2 semaphore(%run_scoped3A_220 : memref<!tpu.dma_semaphore, #tpu.memory_space<semaphore_mem>>) src(%dma_wait3A_230 : memref<80x128xf32, #tpu.memory_space<vmem_shared>>) dst(%dma_wait3A_228 : memref<80x128xf32, #tpu.memory_space<hbm>>)
        tpu.yield
      }) : () -> ()
    } else {
    }
    %add3A_195 = arith.constant 80 : i32
    %add3A_196 = arith.addi %arg1, %add3A_195 : i32
    %lt3A_197 = arith.constant 125 : i32
    %lt3A_198 = arith.cmpi slt, %add3A_196, %lt3A_197 : i32
    %convert_element_type3A_199 = arith.extui %lt3A_198 : i1 to i32
    %cond3A_200 = arith.constant 0 : i32
    %cond3A_201 = arith.cmpi ne, %convert_element_type3A_199, %cond3A_200 : i32
    scf.if %cond3A_201 {
      %mul3A_216 = arith.constant 80 : i32
      %mul3A_217 = arith.muli %add3A_196, %mul3A_216 : i32
      %mul3A_218 = arith.constant 80 : i32
      %mul3A_219 = arith.muli %add3A_196, %mul3A_218 : i32
      "tpu.region"() ({
        %run_scoped3A_220 = tpu.sem_alloc : memref<!tpu.dma_semaphore, #tpu.memory_space<semaphore_mem>>
        %dma_start3A_221 = arith.constant 0 : i32
        %dma_start3A_222 = tpu.memref_slice %arg4[%arg0, %mul3A_219, %dma_start3A_221] : memref<2x10000x128xf32, #tpu.memory_space<hbm>> -> memref<1x80x128xf32, #tpu.memory_space<hbm>>
        %dma_start3A_223 = tpu.memref_squeeze %dma_start3A_222 : memref<1x80x128xf32, #tpu.memory_space<hbm>> -> memref<80x128xf32, #tpu.memory_space<hbm>>
        %dma_start3A_224 = arith.constant 0 : i32
        %dma_start3A_225 = tpu.memref_slice %arg7[%mul3A_217, %dma_start3A_224] : memref<10000x128xf32, #tpu.memory_space<vmem_shared>> -> memref<80x128xf32, #tpu.memory_space<vmem_shared>>
        tpu.enqueue_dma source(%dma_start3A_225 : memref<80x128xf32, #tpu.memory_space<vmem_shared>>) target(%dma_start3A_223 : memref<80x128xf32, #tpu.memory_space<hbm>>) target_semaphore(%run_scoped3A_220 : memref<!tpu.dma_semaphore, #tpu.memory_space<semaphore_mem>>)
        %dma_wait3A_226 = arith.constant 0 : i32
        %dma_wait3A_227 = tpu.memref_slice %arg4[%arg0, %mul3A_219, %dma_wait3A_226] : memref<2x10000x128xf32, #tpu.memory_space<hbm>> -> memref<1x80x128xf32, #tpu.memory_space<hbm>>
        %dma_wait3A_228 = tpu.memref_squeeze %dma_wait3A_227 : memref<1x80x128xf32, #tpu.memory_space<hbm>> -> memref<80x128xf32, #tpu.memory_space<hbm>>
        %dma_wait3A_229 = arith.constant 0 : i32
        %dma_wait3A_230 = tpu.memref_slice %arg7[%mul3A_217, %dma_wait3A_229] : memref<10000x128xf32, #tpu.memory_space<vmem_shared>> -> memref<80x128xf32, #tpu.memory_space<vmem_shared>>
        tpu.wait_dma2 semaphore(%run_scoped3A_220 : memref<!tpu.dma_semaphore, #tpu.memory_space<semaphore_mem>>) src(%dma_wait3A_230 : memref<80x128xf32, #tpu.memory_space<vmem_shared>>) dst(%dma_wait3A_228 : memref<80x128xf32, #tpu.memory_space<hbm>>)
        tpu.yield
      }) : () -> ()
    } else {
    }
    %add3A_202 = arith.constant 96 : i32
    %add3A_203 = arith.addi %arg1, %add3A_202 : i32
    %lt3A_204 = arith.constant 125 : i32
    %lt3A_205 = arith.cmpi slt, %add3A_203, %lt3A_204 : i32
    %convert_element_type3A_206 = arith.extui %lt3A_205 : i1 to i32
    %cond3A_207 = arith.constant 0 : i32
    %cond3A_208 = arith.cmpi ne, %convert_element_type3A_206, %cond3A_207 : i32
    scf.if %cond3A_208 {
      %mul3A_216 = arith.constant 80 : i32
      %mul3A_217 = arith.muli %add3A_203, %mul3A_216 : i32
      %mul3A_218 = arith.constant 80 : i32
      %mul3A_219 = arith.muli %add3A_203, %mul3A_218 : i32
      "tpu.region"() ({
        %run_scoped3A_220 = tpu.sem_alloc : memref<!tpu.dma_semaphore, #tpu.memory_space<semaphore_mem>>
        %dma_start3A_221 = arith.constant 0 : i32
        %dma_start3A_222 = tpu.memref_slice %arg4[%arg0, %mul3A_219, %dma_start3A_221] : memref<2x10000x128xf32, #tpu.memory_space<hbm>> -> memref<1x80x128xf32, #tpu.memory_space<hbm>>
        %dma_start3A_223 = tpu.memref_squeeze %dma_start3A_222 : memref<1x80x128xf32, #tpu.memory_space<hbm>> -> memref<80x128xf32, #tpu.memory_space<hbm>>
        %dma_start3A_224 = arith.constant 0 : i32
        %dma_start3A_225 = tpu.memref_slice %arg7[%mul3A_217, %dma_start3A_224] : memref<10000x128xf32, #tpu.memory_space<vmem_shared>> -> memref<80x128xf32, #tpu.memory_space<vmem_shared>>
        tpu.enqueue_dma source(%dma_start3A_225 : memref<80x128xf32, #tpu.memory_space<vmem_shared>>) target(%dma_start3A_223 : memref<80x128xf32, #tpu.memory_space<hbm>>) target_semaphore(%run_scoped3A_220 : memref<!tpu.dma_semaphore, #tpu.memory_space<semaphore_mem>>)
        %dma_wait3A_226 = arith.constant 0 : i32
        %dma_wait3A_227 = tpu.memref_slice %arg4[%arg0, %mul3A_219, %dma_wait3A_226] : memref<2x10000x128xf32, #tpu.memory_space<hbm>> -> memref<1x80x128xf32, #tpu.memory_space<hbm>>
        %dma_wait3A_228 = tpu.memref_squeeze %dma_wait3A_227 : memref<1x80x128xf32, #tpu.memory_space<hbm>> -> memref<80x128xf32, #tpu.memory_space<hbm>>
        %dma_wait3A_229 = arith.constant 0 : i32
        %dma_wait3A_230 = tpu.memref_slice %arg7[%mul3A_217, %dma_wait3A_229] : memref<10000x128xf32, #tpu.memory_space<vmem_shared>> -> memref<80x128xf32, #tpu.memory_space<vmem_shared>>
        tpu.wait_dma2 semaphore(%run_scoped3A_220 : memref<!tpu.dma_semaphore, #tpu.memory_space<semaphore_mem>>) src(%dma_wait3A_230 : memref<80x128xf32, #tpu.memory_space<vmem_shared>>) dst(%dma_wait3A_228 : memref<80x128xf32, #tpu.memory_space<hbm>>)
        tpu.yield
      }) : () -> ()
    } else {
    }
    %add3A_209 = arith.constant 112 : i32
    %add3A_210 = arith.addi %arg1, %add3A_209 : i32
    %lt3A_211 = arith.constant 125 : i32
    %lt3A_212 = arith.cmpi slt, %add3A_210, %lt3A_211 : i32
    %convert_element_type3A_213 = arith.extui %lt3A_212 : i1 to i32
    %cond3A_214 = arith.constant 0 : i32
    %cond3A_215 = arith.cmpi ne, %convert_element_type3A_213, %cond3A_214 : i32
    scf.if %cond3A_215 {
      %mul3A_216 = arith.constant 80 : i32
      %mul3A_217 = arith.muli %add3A_210, %mul3A_216 : i32
      %mul3A_218 = arith.constant 80 : i32
      %mul3A_219 = arith.muli %add3A_210, %mul3A_218 : i32
      "tpu.region"() ({
        %run_scoped3A_220 = tpu.sem_alloc : memref<!tpu.dma_semaphore, #tpu.memory_space<semaphore_mem>>
        %dma_start3A_221 = arith.constant 0 : i32
        %dma_start3A_222 = tpu.memref_slice %arg4[%arg0, %mul3A_219, %dma_start3A_221] : memref<2x10000x128xf32, #tpu.memory_space<hbm>> -> memref<1x80x128xf32, #tpu.memory_space<hbm>>
        %dma_start3A_223 = tpu.memref_squeeze %dma_start3A_222 : memref<1x80x128xf32, #tpu.memory_space<hbm>> -> memref<80x128xf32, #tpu.memory_space<hbm>>
        %dma_start3A_224 = arith.constant 0 : i32
        %dma_start3A_225 = tpu.memref_slice %arg7[%mul3A_217, %dma_start3A_224] : memref<10000x128xf32, #tpu.memory_space<vmem_shared>> -> memref<80x128xf32, #tpu.memory_space<vmem_shared>>
        tpu.enqueue_dma source(%dma_start3A_225 : memref<80x128xf32, #tpu.memory_space<vmem_shared>>) target(%dma_start3A_223 : memref<80x128xf32, #tpu.memory_space<hbm>>) target_semaphore(%run_scoped3A_220 : memref<!tpu.dma_semaphore, #tpu.memory_space<semaphore_mem>>)
        %dma_wait3A_226 = arith.constant 0 : i32
        %dma_wait3A_227 = tpu.memref_slice %arg4[%arg0, %mul3A_219, %dma_wait3A_226] : memref<2x10000x128xf32, #tpu.memory_space<hbm>> -> memref<1x80x128xf32, #tpu.memory_space<hbm>>
        %dma_wait3A_228 = tpu.memref_squeeze %dma_wait3A_227 : memref<1x80x128xf32, #tpu.memory_space<hbm>> -> memref<80x128xf32, #tpu.memory_space<hbm>>
        %dma_wait3A_229 = arith.constant 0 : i32
        %dma_wait3A_230 = tpu.memref_slice %arg7[%mul3A_217, %dma_wait3A_229] : memref<10000x128xf32, #tpu.memory_space<vmem_shared>> -> memref<80x128xf32, #tpu.memory_space<vmem_shared>>
        tpu.wait_dma2 semaphore(%run_scoped3A_220 : memref<!tpu.dma_semaphore, #tpu.memory_space<semaphore_mem>>) src(%dma_wait3A_230 : memref<80x128xf32, #tpu.memory_space<vmem_shared>>) dst(%dma_wait3A_228 : memref<80x128xf32, #tpu.memory_space<hbm>>)
        tpu.yield
      }) : () -> ()
    } else {
    }
    return
  }
}

module attributes {stable_mosaic.version = 14 : i64} {
  func.func @_mlp_body(%arg0: memref<2x10000x128xf32, #tpu.memory_space<vmem>>, %arg1: memref<128x100xf32, #tpu.memory_space<vmem>>, %arg2: memref<1x100xf32, #tpu.memory_space<vmem>>, %arg3: memref<100x128xf32, #tpu.memory_space<vmem>>, %arg4: memref<1x128xf32, #tpu.memory_space<vmem>>, %arg5: memref<10000x128xf32, #tpu.memory_space<vmem>>) attributes {dimension_semantics = [], scalar_prefetch = 0 : i64, scratch_operands = 0 : i64, tpu.core_type = #tpu.core_type<tc>} {
    %get3A = arith.constant 0 : index
    %get3A_0 = arith.constant 0 : index
    %get3A_1 = arith.constant 0 : index
    %get3A_2 = vector.load %arg0[%get3A, %get3A_0, %get3A_1] : memref<2x10000x128xf32, #tpu.memory_space<vmem>>, vector<1x10000x128xf32>
    %get3A_3 = vector.shape_cast %get3A_2 : vector<1x10000x128xf32> to vector<10000x128xf32>
    %get3A_4 = arith.constant 1 : index
    %get3A_5 = arith.constant 0 : index
    %get3A_6 = arith.constant 0 : index
    %get3A_7 = vector.load %arg0[%get3A_4, %get3A_5, %get3A_6] : memref<2x10000x128xf32, #tpu.memory_space<vmem>>, vector<1x10000x128xf32>
    %get3A_8 = vector.shape_cast %get3A_7 : vector<1x10000x128xf32> to vector<10000x128xf32>
    %add3A = arith.addf %get3A_3, %get3A_8 : vector<10000x128xf32>
    %get3A_9 = arith.constant 0 : index
    %get3A_10 = arith.constant 0 : index
    %get3A_11 = vector.load %arg1[%get3A_9, %get3A_10] : memref<128x100xf32, #tpu.memory_space<vmem>>, vector<128x100xf32>
    %dot_general3A = arith.constant dense<0.000000e+00> : vector<10000x100xf32>
    %dot_general3A_12 = tpu.matmul %add3A, %get3A_11, %dot_general3A {dimension_numbers = #tpu.dot_dimension_numbers<[1], [0], [0], [1], [0, 0, 1, 1], [], []>, transpose_lhs_hint = false} : vector<10000x128xf32>, vector<128x100xf32>, vector<10000x100xf32> -> vector<10000x100xf32>
    %get3A_13 = arith.constant 0 : index
    %get3A_14 = arith.constant 0 : index
    %get3A_15 = vector.load %arg2[%get3A_13, %get3A_14] : memref<1x100xf32, #tpu.memory_space<vmem>>, vector<1x100xf32>
    %add3A_16 = vector.broadcast %get3A_15 : vector<1x100xf32> to vector<10000x100xf32>
    %add3A_17 = arith.addf %dot_general3A_12, %add3A_16 : vector<10000x100xf32>
    %max3A = arith.constant 0.000000e+00 : f32
    %max3A_18 = vector.broadcast %max3A : f32 to vector<10000x100xf32>
    %max3A_19 = arith.maximumf %add3A_17, %max3A_18 : vector<10000x100xf32>
    %get3A_20 = arith.constant 0 : index
    %get3A_21 = arith.constant 0 : index
    %get3A_22 = vector.load %arg3[%get3A_20, %get3A_21] : memref<100x128xf32, #tpu.memory_space<vmem>>, vector<100x128xf32>
    %dot_general3A_23 = arith.constant dense<0.000000e+00> : vector<10000x128xf32>
    %dot_general3A_24 = tpu.matmul %max3A_19, %get3A_22, %dot_general3A_23 {dimension_numbers = #tpu.dot_dimension_numbers<[1], [0], [0], [1], [0, 0, 1, 1], [], []>, transpose_lhs_hint = false} : vector<10000x100xf32>, vector<100x128xf32>, vector<10000x128xf32> -> vector<10000x128xf32>
    %get3A_25 = arith.constant 0 : index
    %get3A_26 = arith.constant 0 : index
    %get3A_27 = vector.load %arg4[%get3A_25, %get3A_26] : memref<1x128xf32, #tpu.memory_space<vmem>>, vector<1x128xf32>
    %add3A_28 = vector.broadcast %get3A_27 : vector<1x128xf32> to vector<10000x128xf32>
    %add3A_29 = arith.addf %dot_general3A_24, %add3A_28 : vector<10000x128xf32>
    %max3A_30 = arith.constant 0.000000e+00 : f32
    %max3A_31 = vector.broadcast %max3A_30 : f32 to vector<10000x128xf32>
    %max3A_32 = arith.maximumf %add3A_29, %max3A_31 : vector<10000x128xf32>
    %swap3A = arith.constant 0 : index
    %swap3A_33 = arith.constant 0 : index
    %swap3A_34 = vector.load %arg5[%swap3A, %swap3A_33] : memref<10000x128xf32, #tpu.memory_space<vmem>>, vector<10000x128xf32>
    tpu.vector_store %arg5[%swap3A, %swap3A_33], %max3A_32 {strides = array<i32>} : memref<10000x128xf32, #tpu.memory_space<vmem>>, vector<10000x128xf32>,
    return
  }
}

</mosaic_0001>

<sc_bundles>
// kernel: kernel.4.cloned.1.call-start
scs
__scs_entry_jumppad:
0x0: {  	(pc) =	sbr.rel $0x88, $3  }
0x1: {  	(tag) =	ssettag $0x0;
	lr =	simm.s32 $0x1  }
0x2: {  	[smem:$0x3F9B] =	sst lr;
	_ =	strace $0xD0000000  }
0x3: {  	_ = 	snop  }
0x4: {  	_ = 	snop  }
0x5: {  	_ = 	snop  }
0x6: {  	_ = 	snop  }
0x7: {  	_ = 	snop  }
__scs_overlays_trampoline_lowered:
0x8: {  	[smem:$0x3FAA] =	sst s0  }
0x9: {  	[smem:$0x3FAB] =	sst s1  }
0xa: {  	[smem:$0x3FAC] =	sst s2  }
0xb: {  	[smem:$0x3FAD] =	sst s3  }
0xc: {  	[smem:$0x3FAE] =	sst s4  }
0xd: {  	[smem:$0x3FAF] =	sst s5  }
0xe: {  	[smem:$0x3FB0] =	sst s6  }
0xf: {  	[smem:$0x3FB1] =	sst s7  }
0x10: {  	[smem:$0x3FB2] =	sst s8  }
0x11: {  	[smem:$0x3FB3] =	sst s9;
	s0 =	simm.s32 @!p0 $0x0  }
0x12: {  	s1 =	sld [smem:$0x3F99];
	s0 =	simm.s32 @p0 $0x1  }
0x13: {  	[smem:$0x3FB4] =	sst s0;
	s0 =	simm.s32 @!p1 $0x0  }
0x14: {  	s2 =	sld [smem:$0x3F98];
	s0 =	simm.s32 @p1 $0x1  }
0x15: {  	[smem:$0x3FB5] =	sst s0;
	s0 =	simm.s32 @!p2 $0x0  }
0x16: {  	s3 =	sld [smem:$0x3FDB];
	s0 =	simm.s32 @p2 $0x1  }
0x17: {  	s4 =	simm.s32 $0x1BF5;
	[smem:$0x3FB7] =	sst s0  }
0x18: {  	s0 =	sld [smem:$0x3F9A];
	_ =	swait.ge [sflag:s4], $0x0  }
0x19: {  	s7 =	sld [smem:$0x3F9B]  }
0x1a: {  	s8 =	sadd.s32 $0xFFFFE003, lr  }
0x1b: {  	s9 =	sadd.s32 $0xFFFFFEF7, lr;
	s5 =	simm.s32 $0xFFFFFFFF;
	p2 =	slt.u32 s8, $0xFFFFF086  }
0x1c: {  	p1 =	slt.u32 s9, $0xF7A;
	s5 =	simm.s32 @!p2 $0x0  }
0x1d: {  	s5 =	simm.s32 @p1 $0x1;
	p0 =	seq.s32 s7, s2  }
0x1e: {  	s7 =	smul.u32 @!p0 $0xF7A, s2;
	p2 =	seq.s32 @!p0 s5, $0x0  }
0x1f: {  	s9 =	smul.u32 $0xF7A, s1;
	s8 =	simm.s32 @!p0 $0x1BF5;
	p2 =	por !p2, p0  }
0x20: {  	[sflag:s8] =	ssyncset.s32 @!p0 $0xFFFFF086;
	s6 =	sadd.s32 @!p0 s3, s7;
	s7 =	simm.s32 @!p0 $0x108  }
0x21: {  	s3 =	sadd.s32 s3, s9;
	s6 =	sadd.s32 @!p0 $0x88, s6;
	s7 =	simm.s32 @p2 $0x1082  }
0x22: {  	[simem:s7], [sflag:s8] =	dma.local @!p0 [hbm:s6], $0xF7A  }
0x23: {  	s9 =	sor.u32 $0xD0000000, s2;
	s6 =	simm.s32 $0x108;
	_ =	swait.ge @!p0 [sflag:s8], $0x0  }
0x24: {  	s3 =	sadd.s32 $0x88, s3;
	s6 =	simm.s32 @!p1 $0x1082;
	[sflag:s4] =	ssyncset.s32 $0xFFFFF086  }
0x25: {  	[simem:s6], [sflag:s4] =	dma.local [hbm:s3], $0xF7A  }
0x26: {  	[smem:$0x3F9B] =	sst s1;
	(tag) =	ssettag s2;
	_ =	strace s9  }
0x27: {  	s1 =	sld [smem:$0x3FAB]  }
0x28: {  	s2 =	sld [smem:$0x3FAC]  }
0x29: {  	s4 =	sld [smem:$0x3FAE]  }
0x2a: {  	p0 =	seq.s32 s5, $0x0;
	s5 =	sld [smem:$0x3FAF]  }
0x2b: {  	s6 =	sld [smem:$0x3FB0]  }
0x2c: {  	s7 =	sld [smem:$0x3FB1]  }
0x2d: {  	s3 =	simm.s32 $0x108;
	s8 =	sld [smem:$0x3FB2]  }
0x2e: {  	s3 =	simm.s32 @!p0 $0x1082;
	s9 =	sld [smem:$0x3FB3]  }
0x2f: {  	lr =	sadd.s32 s0, s3;
	s0 =	sld [smem:$0x3FAA]  }
0x30: {  	s3 =	sld [smem:$0x3FAD]  }
0x31: {  	[smem:$0x3FB6] =	sst s10  }
0x32: {  	s10 =	sld [smem:$0x3FB4];
	_ =	sdelay $0x3  }
0x33: {  	p0 =	seq.s32 s10, $0x1;
	s10 =	sld [smem:$0x3FB6];
	_ =	sdelay $0x3  }
0x34: {  	[smem:$0x3FB6] =	sst s10  }
0x35: {  	s10 =	sld [smem:$0x3FB5];
	_ =	sdelay $0x3  }
0x36: {  	p1 =	seq.s32 s10, $0x1;
	s10 =	sld [smem:$0x3FB6];
	_ =	sdelay $0x3  }
0x37: {  	[smem:$0x3FB6] =	sst s10  }
0x38: {  	s10 =	sld [smem:$0x3FB7]  }
0x39: {  	_ = 	snop;
	(pc) =	sbr.ind lr, $3  }
0x3a: {  	_ = 	snop  }
0x3b: {  	_ = 	snop  }
0x3c: {  	p2 =	seq.s32 s10, $0x1;
	s10 =	sld [smem:$0x3FB6]  }
0x3d: {  	_ =	shalt  }
0x3e: {  	_ =	shalt  }
0x3f: {  	_ =	shalt  }
0x40: {  	_ =	shalt  }
0x41: {  	_ =	shalt  }
0x42: {  	_ =	shalt  }
0x43: {  	_ =	shalt  }
0x44: {  	_ =	shalt  }
0x45: {  	_ =	shalt  }
0x46: {  	_ =	shalt  }
0x47: {  	_ =	shalt  }
0x48: {  	_ =	shalt  }
0x49: {  	_ =	shalt  }
0x4a: {  	_ =	shalt  }
0x4b: {  	_ =	shalt  }
0x4c: {  	_ =	shalt  }
0x4d: {  	_ =	shalt  }
0x4e: {  	_ =	shalt  }
0x4f: {  	_ =	shalt  }
0x50: {  	_ =	shalt  }
0x51: {  	_ =	shalt  }
0x52: {  	_ =	shalt  }
0x53: {  	_ =	shalt  }
0x54: {  	_ =	shalt  }
0x55: {  	_ =	shalt  }
0x56: {  	_ =	shalt  }
0x57: {  	_ =	shalt  }
0x58: {  	_ =	shalt  }
0x59: {  	_ =	shalt  }
0x5a: {  	_ =	shalt  }
0x5b: {  	_ =	shalt  }
0x5c: {  	_ =	shalt  }
0x5d: {  	_ =	shalt  }
0x5e: {  	_ =	shalt  }
0x5f: {  	_ =	shalt  }
0x60: {  	_ =	shalt  }
0x61: {  	_ =	shalt  }
0x62: {  	_ =	shalt  }
0x63: {  	_ =	shalt  }
0x64: {  	_ =	shalt  }
0x65: {  	_ =	shalt  }
0x66: {  	_ =	shalt  }
0x67: {  	_ =	shalt  }
0x68: {  	_ =	shalt  }
0x69: {  	_ =	shalt  }
0x6a: {  	_ =	shalt  }
0x6b: {  	_ =	shalt  }
0x6c: {  	_ =	shalt  }
0x6d: {  	_ =	shalt  }
0x6e: {  	_ =	shalt  }
0x6f: {  	_ =	shalt  }
0x70: {  	_ =	shalt  }
0x71: {  	_ =	shalt  }
0x72: {  	_ =	shalt  }
0x73: {  	_ =	shalt  }
0x74: {  	_ =	shalt  }
0x75: {  	_ =	shalt  }
0x76: {  	_ =	shalt  }
0x77: {  	_ =	shalt  }
0x78: {  	_ =	shalt  }
0x79: {  	_ =	shalt  }
0x7a: {  	_ =	shalt  }
0x7b: {  	_ =	shalt  }
0x7c: {  	_ =	shalt  }
0x7d: {  	_ =	shalt  }
0x7e: {  	_ =	shalt  }
0x7f: {  	_ =	shalt  }
0x80: {  	_ =	shalt  }
0x81: {  	_ =	shalt  }
0x82: {  	_ =	shalt  }
0x83: {  	_ =	shalt  }
0x84: {  	_ =	shalt  }
0x85: {  	_ =	shalt  }
0x86: {  	_ =	shalt  }
0x87: {  	_ =	shalt  }
.Lfunc_end0:
.L_simem_size_0:
called_computation_lowered:
.L_overlay_start_0:
0x88: {  	s2 =	sld [smem:$0x3FD9]  }
0x89: {  	s3 =	sld [smem:$0x3FFE];
	_ =	sdelay $0x1  }
0x8a: {  	s1 =	srdreg.scid  }
0x8b: {  	s0 =	sand.u32 $0x1, s1  }
0x8c: {  	s17 =	sshll.u32 s0, $0xA;
	s2 =	sadd.s32 s3, s2  }
0x8d: {  	s2 =	sadd.s32 s2, s17  }
0x8e: {  	[smem:$0x3FC2] =	sst s2  }
0x8f: {  	_ = 	snop  }
0x90: {  	s2 =	sld [smem:$0x3FC9]  }
0x91: {  	s18 =	sld [smem:$0x3FD0];
	(tm) =	ssettm $0x1  }
0x92: {  	s4 =	sld [smem:$0x3FFB];
	_ =	sdelay $0x3  }
0x93: {  	_ =	strace s4  }
0x94: {  	s4 =	sld [smem:$0x3FFC];
	_ =	sdelay $0x3  }
0x95: {  	_ =	strace s4  }
0x96: {  	s4 =	sld [smem:$0x3FFD];
	_ =	sdelay $0x3  }
0x97: {  	_ =	strace s4  }
0x98: {  	_ =	strace $0x8FFFFFFF  }
0x99: {  	s19 =	sld [smem:$0x3FDB];
	_ =	sdelay $0x1  }
0x9a: {  	s5 =	simm.s32 $_scs_section_size  }
0x9b: {  	s6 =	simm.s32 $_size__tile_overlayer_lowered;
	s7 =	simm.s32 $_tile_overlayer_lowered  }
0x9c: {  	s22 =	simm.s32 $0x1BFF;
	s21 =	sshll.u32 s7, $0x1;
	s4 =	sadd.s32 s5, s19  }
0x9d: {  	s8 =	simm.s32 $0x0;
	s20 =	sshll.u32 s6, $0x1;
	s6 =	sadd.s32 s21, s4  }
0x9e: {  	[timem:s8], [sflag:s22] =	dma.local [hbm:s6], s20  }
0x9f: {  	_ =	swait.ge [sflag:s22], s20  }
0xa0: {  	s5 =	ssub.s32 $0x0, s20;
	[sflag:s22] =	ssyncset.done $0x0  }
0xa1: {  	[sflag:s22] =	ssyncadd.s32 s5;
	_ =	sdelay $0x1  }
0xa2: {  	s23 =	simm.s32 $0x1B8B  }
0xa3: {  	_ =	swait.ge [sflag:s23], $0x1  }
0xa4: {  	[sflag:s23] =	ssyncset.done $0x0  }
0xa5: {  	s25 =	simm.s32 $0x1B8E;
	s24 =	sld [smem:$0x3FFE];
	[sflag:s23] =	ssyncadd.s32 $0xFFFFFFFF  }
0xa6: {  	s26 =	simm.s32 $execute0_lowered;
	[smem:$0x3FD2] =	sst s25  }
0xa7: {  	s6 =	sshll.u32 s26, $0x1;
	_ =	strace $0x80000046;
	[dreg:$0x1] =	wrdreg $0xFFFFFFFF  }
0xa8: {  	s28 =	simm.s32 $_size_execute0_lowered;
	s4 =	sadd.s32 s4, s6;
	[dreg:$0x0] =	wrdreg $0x0  }
0xa9: {  	s6 =	sshll.u32 s28, $0x1;
	[dreg:$0x2] =	wrdreg s4  }
0xaa: {  	[dreg:$0x3] =	wrdreg s6  }
0xab: {  	[dreg:$0x4] =	wrdreg $0xC0  }
0xac: {  	_ =	task [dreg:s8], $0x5FFFF  }
0xad: {  	[dreg:$0x1] =	wrdreg $0xFFFFFFFF  }
0xae: {  	[dreg:$0x0] =	wrdreg $0x60  }
0xaf: {  	[dreg:$0x2] =	wrdreg s2  }
0xb0: {  	[dreg:$0x3] =	wrdreg s18  }
0xb1: {  	[dreg:$0x4] =	wrdreg s24  }
0xb2: {  	[dreg:$0x5] =	wrdreg $0x90000  }
0xb3: {  	[dreg:$0x6] =	wrdreg $0x9  }
0xb4: {  	_ =	task.clear_ibuf [dreg:s8], $0x7FFFF;
	_ =	strace $0x90000046  }
0xb5: {  	s29 =	simm.s32 $0x9;
	_ =	strace $0x80000048  }
0xb6: {  	_ =	swait.ge [sflag:s29], $0x1  }
0xb7: {  	[sflag:s29] =	ssyncadd.s32 $0xFFFFFFFF  }
0xb8: {  	_ =	strace $0x90000048  }
0xb9: {  	_ =	sfence  }
0xba: {  	s30 =	sld [smem:$0x0];
	_ =	sdelay $0x2  }
0xbb: {  	s31 =	sshll.u32 s1, $0xD;
	s1 =	sshrl.u32 s1, $0x2  }
0xbc: {  	s3 =	sand.u32 $0x4000, s31;
	s1 =	sadd.s32 s1, s30  }
0xbd: {  	s0 =	sor.u32 s3, s0;
	s1 =	sshll.u32 s1, $0x11  }
0xbe: {  	s0 =	sor.u32 s1, s0  }
0xbf: {  	s0 =	sadd.s32 $0x8F2B, s0  }
0xc0: {  	[sflag:s0] =	ssyncadd.remote.s32 $0x1  }
0xc1: {  	_ =	sfence.sel $0xFFFF  }
0xc2: {  	[dreg:$0x0] =	wrdreg $0xFFFFFFFF;
	(pc) =	sbr.abs _section_cstart, $3  }
0xc3: {  	[dreg:$0x1] =	wrdreg $0xFFFFFFFF  }
0xc4: {  	_ =	task.clear_ibuf [dreg:s8], $0x2FFFF;
	_ =	strace $0x9FFFFFFF  }
0xc5: {  	(tm) =	ssettm $0x7FFFFFFF  }
tec
execute0_lowered:
.L_overlay_start_1:
0x0: {  	(tag) =	ssettag $0x1  }
0x1: {  	s0 =	rddreg [dreg:$0x0]  }
0x2: {  	s4 =	rddreg [dreg:$0x1]  }
0x3: {  	s5 =	rddreg [dreg:$0x2]  }
0x4: {  	s2 =	srdreg.scid;
	s29 =	stileid.u32  }
0x5: {  	s1 =	rddreg [dreg:$0x3];
	s9 =	smul.u32 $0x2800, s29  }
0x6: {  	s3 =	simm.s32 $0x0;
	s18 =	sand.u32 $0x1, s2;
	s24 =	smul.u32 $0xA000, s29  }
0x7: {  	s30 =	simm.s32 $0x1;
	s8 =	sor.u32 $0x10, s29;
	s25 =	smul.u32 $0x138800, s18  }
0x8: {  	s31 =	simm.s32 $0x50;
	s11 =	sor.u32 $0x30, s29;
	s10 =	smul.u32 $0x2800, s8  }
0x9: {  	[smem:$0x7FF] =	sst s3;
	s12 =	sor.u32 $0x40, s29;
	s16 =	smul.u32 $0x2800, s11  }
0xa: {  	s14 =	sor.u32 $0x50, s29;
	s15 =	sor.u32 $0x60, s29;
	s21 =	smul.u32 $0x2800, s12  }
0xb: {  	s19 =	sor.u32 $0x70, s29;
	p0 =	sgt.u32 s29, $0xC;
	s26 =	smul.u32 $0x2800, s14  }
0xc: {  	s2 =	ssub.s32 $0x2, s18;
	s7 =	sshll.u32 s18, $0x4;
	s28 =	smul.u32 $0x2800, s15  }
0xd: {  	s22 =	smul.u32 $0x2800, s19;
	s17 =	sor.u32 s29, s7;
	s7 =	sor.u32 $0x20, s29  }
0xe: {  	s6 =	sshrl.u32 s2, $0x1;
	s13 =	smul.u32 $0x2800, s7;
	s20 =	sshll.u32 s17, $0xB  }
0xf: {  	s10 =	sadd.s32 s25, s10;
	s16 =	sadd.s32 s25, s16;
	s21 =	sadd.s32 s25, s21  }
0x10: {  	s23 =	sadd.s32 s25, s26;
	s22 =	sadd.s32 s25, s22;
	s7 =	smul.u32 $0xA000, s7  }
0x11: {  	s26 =	sshrl.u32 s24, $0x2;
	s24 =	smul.u32 $0xA000, s12;
	s4 =	sadd.s32 s4, s20  }
0x12: {  	s20 =	sadd.s32 s25, s28;
	s28 =	smul.u32 $0xA000, s11;
	[dreg:$0x5] =	wrdreg s4  }
0x13: {  	s4 =	sadd.s32 s9, s25;
	s13 =	sadd.s32 s25, s13;
	s25 =	smul.u32 $0xA000, s8  }
0x14: {  	s8 =	sadd.s32 $0xE00, s5;
	s5 =	sadd.s32 s26, s1;
	s26 =	smul.u32 $0xA000, s14  }
0x15: {  	s2 =	ssub.s32 s2, s6;
	s14 =	sshrl.u32 s21, $0x3;
	s21 =	smul.u32 $0x27100, s17  }
0x16: {  	s10 =	sshrl.u32 s10, $0x3;
	s7 =	sshrl.u32 s7, $0x2;
	s9 =	smul.u32 $0x138800, s17  }
0x17: {  	_ =	strace $0x80000047;
	s7 =	sadd.s32 s7, s1;
	s4 =	sshrl.u32 s4, $0x3  }
0x18: {  	s11 =	sadd.s32 s8, s10;
	s12 =	sshrl.u32 s13, $0x3;
	s13 =	sshrl.u32 s16, $0x3  }
0x19: {  	s16 =	sshrl.u32 s20, $0x3;
	s20 =	sshrl.u32 s22, $0x3;
	s22 =	smul.u32 $0x271000, s18  }
0x1a: {  	s6 =	sshrl.u32 s25, $0x2;
	s25 =	sshrl.u32 s28, $0x2;
	s28 =	smul.u32 $0xA000, s15  }
0x1b: {  	s4 =	sadd.s32 s8, s4;
	[dreg:$0x7] =	wrdreg s11;
	s11 =	sadd.s32 s8, s13  }
0x1c: {  	s15 =	sshrl.u32 s23, $0x3;
	s10 =	sshrl.u32 s26, $0x2;
	s23 =	smul.u32 $0xA000, s19  }
0x1d: {  	s18 =	sadd.s32 s0, s21;
	s6 =	sadd.s32 s6, s1;
	[dreg:$0x6] =	wrdreg s4  }
0x1e: {  	s4 =	sadd.s32 s8, s12;
	s12 =	sadd.s32 s8, s14;
	s13 =	sadd.s32 s8, s15  }
0x1f: {  	s14 =	sadd.s32 s8, s16;
	s15 =	sadd.s32 s8, s20;
	s16 =	sadd.s32 s25, s1  }
0x20: {  	s25 =	sshrl.u32 s24, $0x2;
	s24 =	sshrl.u32 s9, $0x3;
	s19 =	sadd.s32 s10, s1  }
0x21: {  	[dreg:$0x8] =	wrdreg s4;
	s17 =	sadd.s32 s25, s1;
	s4 =	sadd.s32 s0, s24  }
0x22: {  	s0 =	sadd.s32 s22, s0;
	s25 =	smul.u32 $0x27100, s29;
	s26 =	sshrl.u32 s28, $0x2  }
0x23: {  	s28 =	sshrl.u32 s23, $0x2;
	s24 =	smax.u32 s2, $0x1;
	s29 =	simm.s32 $0x2800  }
0x24: {  	s2 =	simm.s32 $0x0;
	s20 =	sadd.s32 s26, s1;
	s21 =	sadd.s32 s28, s1  }
0x25: {  	s22 =	sadd.s32 $0x500, s4;
	s23 =	sadd.s32 $0x26C00, s4;
	s0 =	sadd.s32 s25, s0  }
0x26: {  	v0 =	vimm.f32 $0.0e+00;
	s26 =	simm.s32 $0x3;
	s8 =	sadd.s32 $0xF00, s0;
	s0 =	simm.s32 $0x2  }
.LBB2_1:
0x27: {  	s4 =	simm.s32 $0x0;
	s25 =	simm.s32 $0x200  }
.LBB2_2:
0x28: {  	p1 =	sne.s32 s25, $0x9E00;
	[tilespmem:s4+$0x70] =	vst v0  }
0x29: {  	[tilespmem:s4+$0x0] =	vst v0  }
0x2a: {  	[tilespmem:s4+$0x10] =	vst v0  }
.Ltmp0:
0x2b: {  	[tilespmem:s4+$0x20] =	vst v0;
	(pc) =	sbr.rel @p1 .LBB2_2-.Ltmp0, $4  }
0x2c: {  	[tilespmem:s4+$0x30] =	vst v0  }
0x2d: {  	[tilespmem:s4+$0x40] =	vst v0  }
0x2e: {  	[tilespmem:s4+$0x50] =	vst v0  }
0x2f: {  	[tilespmem:s4+$0x60] =	vst v0;
	s4 =	sshra.s32 s25, $0x2;
	s25 =	sadd.s32 $0x200, s25  }
0x30: {  	[tilespmem:s4+$0x70] =	vst v0  }
0x31: {  	[tilespmem:s4+$0x0] =	vst v0  }
0x32: {  	[tilespmem:s4+$0x10] =	vst v0  }
0x33: {  	[tilespmem:s4+$0x20] =	vst v0  }
0x34: {  	[tilespmem:s4+$0x30] =	vst v0  }
0x35: {  	[tilespmem:s4+$0x40] =	vst v0  }
0x36: {  	[tilespmem:s4+$0x50] =	vst v0  }
0x37: {  	[tilespmem:s4+$0x60] =	vst v0  }
0x38: {  	[spmem:s5] =	stream.linear.scatter [tilespmem:s3], [sflag:$0x3], $0x2800, $0x38;
	[tilespmem:$0x1C880] =	vst v63  }
0x39: {  	_ =	swait.ge [sflag:s26], $0x2800  }
0x3a: {  	[sflag:s26] =	ssyncset.done $0x0  }
0x3b: {  	[sflag:s26] =	ssyncadd.s32 $0xFFFFD800  }
0x3c: {  	[spmem:s6] =	stream.linear.scatter [tilespmem:s3], [sflag:$0x3], $0x2800, $0x38;
	[tilespmem:$0x1C880] =	vst v63  }
0x3d: {  	_ =	swait.ge [sflag:s26], $0x2800  }
0x3e: {  	[sflag:s26] =	ssyncset.done $0x0  }
0x3f: {  	[sflag:s26] =	ssyncadd.s32 $0xFFFFD800  }
0x40: {  	[spmem:s7] =	stream.linear.scatter [tilespmem:s3], [sflag:$0x3], $0x2800, $0x38;
	[tilespmem:$0x1C880] =	vst v63  }
0x41: {  	_ =	swait.ge [sflag:s26], $0x2800  }
0x42: {  	[sflag:s26] =	ssyncset.done $0x0  }
0x43: {  	[sflag:s26] =	ssyncadd.s32 $0xFFFFD800  }
0x44: {  	[spmem:s16] =	stream.linear.scatter [tilespmem:s3], [sflag:$0x3], $0x2800, $0x38;
	[tilespmem:$0x1C880] =	vst v63  }
0x45: {  	_ =	swait.ge [sflag:s26], $0x2800  }
0x46: {  	[sflag:s26] =	ssyncset.done $0x0  }
0x47: {  	[sflag:s26] =	ssyncadd.s32 $0xFFFFD800  }
0x48: {  	[spmem:s17] =	stream.linear.scatter [tilespmem:s3], [sflag:$0x3], $0x2800, $0x38;
	[tilespmem:$0x1C880] =	vst v63  }
0x49: {  	_ =	swait.ge [sflag:s26], $0x2800  }
0x4a: {  	[sflag:s26] =	ssyncset.done $0x0  }
0x4b: {  	[sflag:s26] =	ssyncadd.s32 $0xFFFFD800  }
0x4c: {  	[spmem:s19] =	stream.linear.scatter [tilespmem:s3], [sflag:$0x3], $0x2800, $0x38;
	[tilespmem:$0x1C880] =	vst v63  }
0x4d: {  	_ =	swait.ge [sflag:s26], $0x2800  }
0x4e: {  	[sflag:s26] =	ssyncset.done $0x0  }
0x4f: {  	[sflag:s26] =	ssyncadd.s32 $0xFFFFD800  }
0x50: {  	[spmem:s20] =	stream.linear.scatter [tilespmem:s3], [sflag:$0x3], $0x2800, $0x38;
	[tilespmem:$0x1C880] =	vst v63  }
0x51: {  	_ =	swait.ge [sflag:s26], $0x2800  }
0x52: {  	[sflag:s26] =	ssyncset.done $0x0  }
0x53: {  	s4 =	simm.s32 @!p0 $0x0;
	[sflag:s26] =	ssyncadd.s32 $0xFFFFD800  }
0x54: {  	[spmem:s21] =	stream.linear.scatter @!p0 [tilespmem:s4], [sflag:$0x3], $0x2800, $0x38;
	[tilespmem:$0x1C880] =	vst v63  }
0x55: {  	s4 =	simm.s32 @!p0 $0x3  }
0x56: {  	_ =	swait.ge @!p0 [sflag:s4], $0x2800  }
0x57: {  	[sflag:s4] =	ssyncset.done @!p0 $0x0  }
0x58: {  	[sflag:s4] =	ssyncadd.s32 @!p0 $0xFFFFD800  }
0x59: {  	[bflag:$0x0] =	sbarrier.arrive $0xFFFF  }
0x5a: {  	s25 =	simm.s32 $0x0;
	s10 =	simm.s32 $0x5000;
	s9 =	rddreg [dreg:$0x5]  }
0x5b: {  	[tilespmem:s10], [sflag:$0x3] =	stream.linear.gather [hbm4b:s9+s25], $0x3E80, $0x38;
	[tilespmem:$0x1C880] =	vst v63  }
0x5c: {  	_ =	swait.ge [sflag:s26], $0x3E80  }
0x5d: {  	[sflag:s26] =	ssyncset.done $0x0  }
0x5e: {  	[sflag:s26] =	ssyncadd.s32 $0xFFFFC180  }
0x5f: {  	[tilespmem:s25], [sflag:$0x1] =	stream.linear.gather [hbm4b:s18+s25], $0x2800, $0x38;
	[tilespmem:$0x1C880] =	vst v63  }
0x60: {  	_ = 	snop  }
0x61: {  	[tilespmem:s29], [sflag:$0x2] =	stream.linear.gather [hbm4b:s22+s25], $0x2800, $0x38;
	[tilespmem:$0x1C880] =	vst v63  }
0x62: {  	_ =	swait.ge [sflag:s30], $0x2800  }
0x63: {  	[sflag:s30] =	ssyncset.done $0x0  }
0x64: {  	s9 =	simm.s32 $0x5000;
	[sflag:s30] =	ssyncadd.s32 $0xFFFFD800  }
0x65: {  	[spmem:s1] =	stream.indirect.scatter.add.f32 [tilespmem:s3], [sflag:$0x3], $0x80, s9, s31, $0xb8;
	[tilespmem:$0x1C880] =	vst v63  }
0x66: {  	_ =	swait.ge [sflag:s26], $0x2800  }
0x67: {  	[sflag:s26] =	ssyncset.done $0x0  }
0x68: {  	s10 =	sadd.s32 $0xFFFFFB00, s8;
	[sflag:s26] =	ssyncadd.s32 $0xFFFFD800  }
0x69: {  	[tilespmem:s3], [sflag:$0x1] =	stream.linear.gather [hbm4b:s10+s3], $0x2800, $0x38;
	[tilespmem:$0x1C880] =	vst v63  }
0x6a: {  	_ =	swait.ge [sflag:s0], $0x2800  }
0x6b: {  	[sflag:s0] =	ssyncset.done $0x0  }
0x6c: {  	s25 =	simm.s32 $0x5080;
	[sflag:s0] =	ssyncadd.s32 $0xFFFFD800  }
0x6d: {  	[spmem:s1] =	stream.indirect.scatter.add.f32 [tilespmem:s29], [sflag:$0x3], $0x80, s25, s31, $0xb8;
	[tilespmem:$0x1C880] =	vst v63  }
0x6e: {  	_ =	swait.ge [sflag:s26], $0x2800  }
0x6f: {  	s28 =	simm.s32 $0x400;
	[sflag:s26] =	ssyncset.done $0x0  }
0x70: {  	s4 =	sadd.s32 $0xA00, s8;
	s25 =	smov.u32 s8;
	[sflag:s26] =	ssyncadd.s32 $0xFFFFD800  }
.LBB2_4:
0x71: {  	[tilespmem:s29], [sflag:$0x2] =	stream.linear.gather [hbm4b:s25+s3], $0x2800, $0x38;
	[tilespmem:$0x1C880] =	vst v63  }
0x72: {  	s9 =	smov.u32 s28;
	s25 =	smov.u32 s4  }
0x73: {  	p1 =	sne.s32 s28, $0xF000;
	s28 =	sadd.s32 $0x400, s28;
	_ =	swait.ge [sflag:s30], $0x2800  }
0x74: {  	s9 =	sshra.s32 s9, $0x2;
	[sflag:s30] =	ssyncset.done $0x0  }
0x75: {  	s10 =	sadd.s32 $0x5000, s9;
	[sflag:s30] =	ssyncadd.s32 $0xFFFFD800  }
0x76: {  	[spmem:s1] =	stream.indirect.scatter.add.f32 [tilespmem:s3], [sflag:$0x3], $0x80, s10, s31, $0xb8;
	[tilespmem:$0x1C880] =	vst v63  }
0x77: {  	_ =	swait.ge [sflag:s26], $0x2800  }
0x78: {  	[sflag:s26] =	ssyncset.done $0x0  }
0x79: {  	s10 =	sadd.s32 $0xFFFFFB00, s4;
	[sflag:s26] =	ssyncadd.s32 $0xFFFFD800  }
0x7a: {  	[tilespmem:s3], [sflag:$0x1] =	stream.linear.gather [hbm4b:s10+s3], $0x2800, $0x38;
	[tilespmem:$0x1C880] =	vst v63  }
0x7b: {  	_ =	swait.ge [sflag:s0], $0x2800  }
0x7c: {  	[sflag:s0] =	ssyncset.done $0x0  }
.Ltmp1:
0x7d: {  	s9 =	sadd.s32 $0x5080, s9;
	[sflag:s0] =	ssyncadd.s32 $0xFFFFD800;
	(pc) =	sbr.rel @p1 .LBB2_4-.Ltmp1, $4  }
0x7e: {  	[spmem:s1] =	stream.indirect.scatter.add.f32 [tilespmem:s29], [sflag:$0x3], $0x80, s9, s31, $0xb8;
	[tilespmem:$0x1C880] =	vst v63  }
0x7f: {  	_ =	swait.ge [sflag:s26], $0x2800  }
0x80: {  	[sflag:s26] =	ssyncset.done $0x0  }
0x81: {  	s4 =	sadd.s32 $0xA00, s4;
	[sflag:s26] =	ssyncadd.s32 $0xFFFFD800  }
0x82: {  	[tilespmem:s29], [sflag:$0x2] =	stream.linear.gather [hbm4b:s25+s3], $0x2800, $0x38;
	[tilespmem:$0x1C880] =	vst v63  }
0x83: {  	_ =	swait.ge [sflag:s30], $0x2800  }
0x84: {  	[sflag:s30] =	ssyncset.done $0x0  }
0x85: {  	s4 =	simm.s32 $0x8D00;
	[sflag:s30] =	ssyncadd.s32 $0xFFFFD800  }
0x86: {  	[spmem:s1] =	stream.indirect.scatter.add.f32 [tilespmem:s3], [sflag:$0x3], $0x80, s4, s31, $0xb8;
	[tilespmem:$0x1C880] =	vst v63  }
0x87: {  	_ =	swait.ge [sflag:s26], $0x2800  }
0x88: {  	[sflag:s26] =	ssyncset.done $0x0  }
0x89: {  	[sflag:s26] =	ssyncadd.s32 $0xFFFFD800  }
0x8a: {  	[tilespmem:s3], [sflag:$0x1] =	stream.linear.gather [hbm4b:s23+s3], $0x2800, $0x38;
	[tilespmem:$0x1C880] =	vst v63  }
0x8b: {  	_ =	swait.ge [sflag:s0], $0x2800  }
0x8c: {  	[sflag:s0] =	ssyncset.done $0x0  }
0x8d: {  	s28 =	simm.s32 $0x8D80;
	[sflag:s0] =	ssyncadd.s32 $0xFFFFD800  }
0x8e: {  	[spmem:s1] =	stream.indirect.scatter.add.f32 [tilespmem:s29], [sflag:$0x3], $0x80, s28, s31, $0xb8;
	[tilespmem:$0x1C880] =	vst v63  }
0x8f: {  	_ =	swait.ge [sflag:s26], $0x2800  }
0x90: {  	[sflag:s26] =	ssyncset.done $0x0  }
0x91: {  	[sflag:s26] =	ssyncadd.s32 $0xFFFFD800  }
0x92: {  	_ =	swait.ge [sflag:s30], $0x2800  }
0x93: {  	[sflag:s30] =	ssyncset.done $0x0  }
0x94: {  	s9 =	simm.s32 $0x8E00;
	[sflag:s30] =	ssyncadd.s32 $0xFFFFD800  }
0x95: {  	[spmem:s1] =	stream.indirect.scatter.add.f32 [tilespmem:s3], [sflag:$0x3], $0x80, s9, s31, $0xb8;
	[tilespmem:$0x1C880] =	vst v63  }
0x96: {  	_ =	swait.ge [sflag:s26], $0x2800  }
0x97: {  	[sflag:s26] =	ssyncset.done $0x0  }
0x98: {  	s10 =	stileid.u32;
	[sflag:s26] =	ssyncadd.s32 $0xFFFFD800  }
0x99: {  	s4 =	sshll.u32 s10, $0x6;
	[bflag:$0x0] =	sbarrier.arrive $0xFFFF  }
0x9a: {  	s4 =	sor.u32 $0x1C03, s4;
	s9 =	sshrl.u32 s5, $0x3;
	s10 =	rddreg [dreg:$0x6]  }
0x9b: {  	[hbm:s10], [sflag:s4] =	dma.local [spmem:s9], $0x500  }
0x9c: {  	_ =	swait.ge [sflag:s26], $0x500  }
0x9d: {  	[sflag:s26] =	ssyncset.done $0x0  }
0x9e: {  	s25 =	sshrl.u32 s6, $0x3;
	s28 =	rddreg [dreg:$0x7];
	[sflag:s26] =	ssyncadd.s32 $0xFFFFFB00  }
0x9f: {  	[hbm:s28], [sflag:s4] =	dma.local [spmem:s25], $0x500  }
0xa0: {  	_ =	swait.ge [sflag:s26], $0x500  }
0xa1: {  	[sflag:s26] =	ssyncset.done $0x0  }
0xa2: {  	s10 =	sshrl.u32 s7, $0x3;
	s25 =	rddreg [dreg:$0x8];
	[sflag:s26] =	ssyncadd.s32 $0xFFFFFB00  }
0xa3: {  	[hbm:s25], [sflag:s4] =	dma.local [spmem:s10], $0x500  }
0xa4: {  	_ =	swait.ge [sflag:s26], $0x500  }
0xa5: {  	[sflag:s26] =	ssyncset.done $0x0  }
0xa6: {  	s28 =	sshrl.u32 s16, $0x3;
	[sflag:s26] =	ssyncadd.s32 $0xFFFFFB00  }
0xa7: {  	[hbm:s11], [sflag:s4] =	dma.local [spmem:s28], $0x500  }
0xa8: {  	_ =	swait.ge [sflag:s26], $0x500  }
0xa9: {  	[sflag:s26] =	ssyncset.done $0x0  }
0xaa: {  	s10 =	sshrl.u32 s17, $0x3;
	[sflag:s26] =	ssyncadd.s32 $0xFFFFFB00  }
0xab: {  	[hbm:s12], [sflag:s4] =	dma.local [spmem:s10], $0x500  }
0xac: {  	_ =	swait.ge [sflag:s26], $0x500  }
0xad: {  	[sflag:s26] =	ssyncset.done $0x0  }
0xae: {  	s25 =	sshrl.u32 s19, $0x3;
	[sflag:s26] =	ssyncadd.s32 $0xFFFFFB00  }
0xaf: {  	[hbm:s13], [sflag:s4] =	dma.local [spmem:s25], $0x500  }
0xb0: {  	_ =	swait.ge [sflag:s26], $0x500  }
0xb1: {  	[sflag:s26] =	ssyncset.done $0x0  }
0xb2: {  	s28 =	sshrl.u32 s20, $0x3;
	[sflag:s26] =	ssyncadd.s32 $0xFFFFFB00  }
0xb3: {  	[hbm:s14], [sflag:s4] =	dma.local [spmem:s28], $0x500  }
0xb4: {  	_ =	swait.ge [sflag:s26], $0x500  }
0xb5: {  	s2 =	sadd.s32 $0x1, s2;
	[sflag:s26] =	ssyncset.done $0x0  }
0xb6: {  	p1 =	sne.s32 s2, s24;
	s9 =	sshrl.u32 @!p0 s21, $0x3;
	[sflag:s26] =	ssyncadd.s32 $0xFFFFFB00  }
0xb7: {  	[hbm:s15], [sflag:s4] =	dma.local @!p0 [spmem:s9], $0x500  }
.Ltmp2:
0xb8: {  	_ = 	snop;
	(pc) =	sbr.rel @p1 .LBB2_1-.Ltmp2, $4  }
0xb9: {  	s4 =	simm.s32 @!p0 $0x3  }
0xba: {  	_ =	swait.ge @!p0 [sflag:s4], $0x500  }
0xbb: {  	[sflag:s4] =	ssyncset.done @!p0 $0x0  }
0xbc: {  	[sflag:s4] =	ssyncadd.s32 @!p0 $0xFFFFFB00  }
0xbd: {  	_ =	sfence.sel $0x180000  }
0xbe: {  	[bflag:$0x0] =	sbarrier.arrive $0xFFFF  }
0xbf: {  	_ =	strace $0x90000047  }
0xc0: {  	s0 =	stileid.u32;
	[bflag:$0x2] =	sbarrier.arrive $0xFFFF  }
0xc1: {  	p0 =	sne.s32 s0, $0x0;
	s0 =	rddreg [dreg:$0x4]  }
0xc2: {  	s0 =	sadd.s32 @!p0 $0x100000, s0  }
0xc3: {  	[sflag:s0] =	ssyncadd.tile.s32 @!p0 $0x1;
	_ =	shalt  }
.Lfunc_end2:
_tile_overlayer_lowered:
.L_overlay_start_2:
0xc4: {  	(tag) =	ssettag $0x2  }
0xc5: {  	s0 =	rddreg [dreg:$0x0];
	s2 =	stileid.u32  }
0xc6: {  	s1 =	rddreg [dreg:$0x1];
	p0 =	sne.s32 s2, $0x0  }
0xc7: {  	s3 =	rddreg [dreg:$0x2];
	[bflag:$0x3] =	sbarrier.arrive $0xFFFF;
	s2 =	simm.s32 @!p0 $0x1C03  }
0xc8: {  	[timem:s3], [sflag:s2] =	dma.local @!p0 [hbm:s0], s1  }
0xc9: {  	s0 =	simm.s32 @!p0 $0x3  }
0xca: {  	_ =	swait.ge @!p0 [sflag:s0], s1  }
0xcb: {  	s1 =	ssub.s32 @!p0 $0x0, s1;
	[sflag:s0] =	ssyncset.done @!p0 $0x0  }
0xcc: {  	[sflag:s0] =	ssyncadd.s32 @!p0 s1  }
0xcd: {  	[bflag:$0x3] =	sbarrier.arrive $0xFFFF  }
0xce: {  	_ =	shalt  }

</sc_bundles>
